<compile_context>
chip_gen: v7x
topology: tpu7x:2x2x1
jax: 0.10.2.dev20260603
libtpu: 0.0.44.dev20260713+nightly
codegen_flags: <defaults>
</compile_context>

<pallas_src>
import functools

import jax
import jax.numpy as jnp
from jax import lax
from jax.experimental import pallas as pl
from jax.experimental.pallas import tpu as pltpu
from jax.experimental.pallas import tpu_sc as plsc

_B, _C, _H, _W, _K = 8, 64, 64, 64, 1024
_HW = _H * _W
_T = 4096
_NB = _HW // _T
_N = _B * _HW
_NW = 32
_BPW = _N // _NW
_CH = 128


def _vq_block(x_ref, w_ref, idx_ref, loss_ref, a_ref, b2_ref):
    b = pl.program_id(0)
    nb = pl.program_id(1)

    @pl.when(jnp.logical_and(b == 0, nb == 0))
    def _build_consts():
        w = w_ref[...]
        ones = jnp.ones((_K, 1), jnp.float32)
        kio = jax.lax.broadcasted_iota(jnp.int32, (_K, 1), 0)
        khi = (kio // 128).astype(jnp.float32)
        klo = (kio % 128).astype(jnp.float32)
        a = jnp.concatenate([ones, khi, klo], axis=1)
        a_ref[...] = a.astype(jnp.bfloat16)
        b2_ref[...] = jnp.sum(w * w, axis=1, keepdims=True)
        loss_ref[...] = jnp.zeros_like(loss_ref)

    x = x_ref[0]
    w2 = w_ref[...] + w_ref[...]
    s2 = jnp.dot(w2, x, preferred_element_type=jnp.float32)
    a2 = jnp.sum(x * x, axis=0, keepdims=True)
    m = (a2 + b2_ref[...]) - s2
    minm = jnp.min(m, axis=0, keepdims=True)
    mask = m == minm
    oh = mask.astype(jnp.bfloat16)
    dn = (((0,), (0,)), ((), ()))
    g3 = jax.lax.dot_general(a_ref[...], oh, dn,
                             preferred_element_type=jnp.float32)
    cnt = g3[0:1, :]
    idx_ref[0, 0] = (g3[1:2, :] * 128.0 + g3[2:3, :]).astype(jnp.int32)

    @pl.when(jnp.sum(cnt) > _T + 0.5)
    def _resolve_ties():
        kiota = jax.lax.broadcasted_iota(jnp.int32, m.shape, 0).astype(
            jnp.float32)
        idxf = jnp.min(jnp.where(mask, kiota, float(_K)), axis=0,
                       keepdims=True)
        idx_ref[0, 0] = idxf.astype(jnp.int32)

    loss_ref[...] += jnp.sum(minm, axis=(0, 1), keepdims=True)


def _tc_argmin(x, weight):
    idx, loss = pl.pallas_call(
        _vq_block,
        grid=(_B, _NB),
        in_specs=[
            pl.BlockSpec((1, _C, _T), lambda b, n: (b, 0, n)),
            pl.BlockSpec((_K, _C), lambda b, n: (0, 0)),
        ],
        out_specs=[
            pl.BlockSpec((1, 1, 1, _T), lambda b, n: (b, n, 0, 0)),
            pl.BlockSpec((1, 1), lambda b, n: (0, 0)),
        ],
        out_shape=[
            jax.ShapeDtypeStruct((_B, _NB, 1, _T), jnp.int32),
            jax.ShapeDtypeStruct((1, 1), jnp.float32),
        ],
        scratch_shapes=[
            pltpu.VMEM((_K, 3), jnp.bfloat16),
            pltpu.VMEM((_K, 1), jnp.float32),
        ],
    )(x, weight)
    return idx, loss


def _sc_gather_body(idx_hbm, w_hbm, out_hbm, idx_v, rows_v, sem):
    hpw = _BPW // 2
    wid = lax.axis_index("s") * 2 + lax.axis_index("c")
    base = wid * hpw
    pltpu.sync_copy(idx_hbm.at[pl.ds(base, hpw)], idx_v)
    for j in range(hpw // _CH):
        pltpu.async_copy(
            w_hbm.at[idx_v.at[pl.ds(j * _CH, _CH)]],
            rows_v.at[pl.ds(j * _CH, _CH)], sem).wait()
    pltpu.sync_copy(rows_v, out_hbm.at[pl.ds(base, hpw)])


@functools.lru_cache(maxsize=1)
def _sc_gather():
    mesh = plsc.VectorSubcoreMesh(core_axis_name="c", subcore_axis_name="s")
    return pl.kernel(
        _sc_gather_body,
        mesh=mesh,
        out_type=jax.ShapeDtypeStruct((_N // 2, 128), jnp.float32),
        scratch_types=[
            pltpu.VMEM((_BPW // 2,), jnp.int32),
            pltpu.VMEM((_BPW // 2, 128), jnp.float32),
            pltpu.SemaphoreType.DMA,
        ],
    )


def kernel(quant_input, weight):
    x = quant_input.reshape(_B, _C, _HW)
    idx, loss = _tc_argmin(x, weight)
    idx_flat = idx.reshape(_N)
    w_pad = jnp.pad(weight, ((0, 0), (0, 128 - _C)))
    g = _sc_gather()
    rows = jnp.concatenate(
        [g(idx_flat[:_N // 2], w_pad), g(idx_flat[_N // 2:], w_pad)],
        axis=0)[:, :_C]
    quant_out = rows.reshape(_B, _HW, _C).transpose(0, 2, 1).reshape(
        _B, _C, _H, _W)
    loss_s = loss[0, 0] * (1.2 / (_B * _C * _HW))
    encoding_indices = idx.reshape(_B, _H, _W)
    return quant_out, loss_s, encoding_indices

# --- scband reference (transcript-rebuilt; emitter-appended) ---
"""Pipeline reference for scband-quantiser-54949811585515 (READ-ONLY COPY).

The authoritative reference and input builder live on the scoring server;
editing this copy changes nothing except your own understanding.
"""

import jax, jax.numpy as jnp
import numpy as np

BETA = 0.2

def setup_inputs(seed: int = 0) -> dict:
    key = jax.random.key(seed)
    k1, k2 = jax.random.split(key)
    quant_input = jax.random.normal(k1, (8, 64, 64, 64), dtype=jnp.float32)
    weight = jax.random.normal(k2, (1024, 64), dtype=jnp.float32)
    return {"quant_input": quant_input, "weight": weight}


def _cdist(a, b):
    # a: [B, N, D], b: [K, D]; euclidean distance like torch.cdist (p=2)
    a2 = jnp.sum(a * a, axis=-1, keepdims=True)          # [B, N, 1]
    b2 = jnp.sum(b * b, axis=-1)[None, None, :]          # [1, 1, K]
    d2 = a2 + b2 - 2.0 * jnp.einsum('bnd,kd->bnk', a, b)
    return jnp.sqrt(jnp.maximum(d2, 0.0))


def _forward(quant_input, weight):
    B, C, H, W = quant_input.shape
    # get_encoding_indices
    qi = jnp.transpose(quant_input, (0, 2, 3, 1)).reshape(B, H * W, C)
    dist = _cdist(qi, weight)
    encoding_indices = jnp.argmin(dist, axis=-1)         # [B, H*W]
    # output_from_indices (faithful to torch code: reshape to quant_input.shape
    # then permute(0,3,1,2); valid because C == H == W)
    quant_out = jnp.take(weight, encoding_indices.reshape(-1), axis=0)
    quant_out = quant_out.reshape(B, C, H, W)
    quant_out = jnp.transpose(quant_out, (0, 3, 1, 2))
    commitment_loss = jnp.mean((jax.lax.stop_gradient(quant_out) - quant_input) ** 2)
    codebook_loss = jnp.mean((quant_out - jax.lax.stop_gradient(quant_input)) ** 2)
    loss = codebook_loss + BETA * commitment_loss
    quant_out = quant_input + jax.lax.stop_gradient(quant_out - quant_input)
    encoding_indices = encoding_indices.reshape(-1, quant_out.shape[-2], quant_out.shape[-1])
    return quant_out, loss, encoding_indices


def reference(quant_input, weight):
    return _forward(quant_input, weight)

if __name__ == "__main__":
    import jax
    _d = setup_inputs()
    print(jax.jit(kernel)(*tuple(_d.values())))

</pallas_src>

<mosaic_0001>
#map = affine_map<(d0, d1) -> (0)>
#map1 = affine_map<(d0, d1) -> (0, 0)>
module attributes {stable_mosaic.version = 14 : i64} {
  func.func @_sc_gather_body(%arg0: i32, %arg1: i32, %arg2: memref<16384xi32, #tpu.memory_space<hbm>>, %arg3: memref<1024x128xf32, #tpu.memory_space<hbm>>, %arg4: memref<16384x128xf32, #tpu.memory_space<hbm>>, %arg5: memref<512xi32, #tpu.memory_space<vmem>>, %arg6: memref<512x128xf32, #tpu.memory_space<vmem>>, %arg7: memref<!tpu.dma_semaphore, #tpu.memory_space<semaphore_mem>>) attributes {dimension_semantics = [#tpu.dimension_semantics<core_parallel>, #tpu.dimension_semantics<subcore_parallel>], iteration_bounds = array<i64: 2, 16>, scalar_prefetch = 0 : i64, scratch_operands = 3 : i64, tpu.core_type = #tpu.core_type<sc_vector_subcore>, window_params = [{transform_indices = #map}, {transform_indices = #map1}, {transform_indices = #map1}]} {
    %mul3A = arith.constant 2 : i32
    %mul3A_0 = arith.muli %arg1, %mul3A : i32
    %add3A = arith.addi %mul3A_0, %arg0 : i32
    %mul3A_1 = arith.constant 512 : i32
    %mul3A_2 = arith.muli %add3A, %mul3A_1 : i32
    "tpu.region"() ({
      %run_scoped3A = tpu.sem_alloc : memref<!tpu.dma_semaphore, #tpu.memory_space<semaphore_mem>>
      %dma_start3A_65 = tpu.memref_slice %arg2[%mul3A_2] : memref<16384xi32, #tpu.memory_space<hbm>> -> memref<512xi32, #tpu.memory_space<hbm>>
      %dma_start3A_66 = tpu.memref_slice %arg2[%mul3A_2] : memref<16384xi32, #tpu.memory_space<hbm>> -> memref<512xi32, #tpu.memory_space<hbm>>
      tpu.enqueue_dma source(%dma_start3A_66 : memref<512xi32, #tpu.memory_space<hbm>>) target(%arg5 : memref<512xi32, #tpu.memory_space<vmem>>) target_semaphore(%run_scoped3A : memref<!tpu.dma_semaphore, #tpu.memory_space<semaphore_mem>>)
      %dma_wait3A_67 = tpu.memref_slice %arg2[%mul3A_2] : memref<16384xi32, #tpu.memory_space<hbm>> -> memref<512xi32, #tpu.memory_space<hbm>>
      %dma_wait3A_68 = tpu.memref_slice %arg2[%mul3A_2] : memref<16384xi32, #tpu.memory_space<hbm>> -> memref<512xi32, #tpu.memory_space<hbm>>
      tpu.wait_dma2 semaphore(%run_scoped3A : memref<!tpu.dma_semaphore, #tpu.memory_space<semaphore_mem>>) src(%dma_wait3A_68 : memref<512xi32, #tpu.memory_space<hbm>>) dst(%arg5 : memref<512xi32, #tpu.memory_space<vmem>>)
      tpu.yield
    }) : () -> ()
    %dma_start3A = arith.constant 0 : i32
    %dma_start3A_3 = arith.constant 0 : i32
    %dma_start3A_4 = tpu.memref_slice %arg6[%dma_start3A, %dma_start3A_3] : memref<512x128xf32, #tpu.memory_space<vmem>> -> memref<128x128xf32, #tpu.memory_space<vmem>>
    %dma_start3A_5 = arith.constant 0 : i32
    %dma_start3A_6 = tpu.memref_slice %arg5[%dma_start3A_5] : memref<512xi32, #tpu.memory_space<vmem>> -> memref<128xi32, #tpu.memory_space<vmem>>
    %dma_start3A_7 = arith.constant 0 : i32
    %dma_start3A_8 = arith.constant 0 : i32
    %dma_start3A_9 = tpu.memref_slice %arg3[%dma_start3A_7, %dma_start3A_8] : memref<1024x128xf32, #tpu.memory_space<hbm>> -> memref<1024x128xf32, #tpu.memory_space<hbm>>
    tpu.enqueue_indirect_dma source(%dma_start3A_9 : memref<1024x128xf32, #tpu.memory_space<hbm>>) target(%dma_start3A_4 : memref<128x128xf32, #tpu.memory_space<vmem>>) offsets(%dma_start3A_6 : memref<128xi32, #tpu.memory_space<vmem>>) semaphore(%arg7 : memref<!tpu.dma_semaphore, #tpu.memory_space<semaphore_mem>>)
    %dma_wait3A = arith.constant 0 : i32
    %dma_wait3A_10 = arith.constant 0 : i32
    %dma_wait3A_11 = tpu.memref_slice %arg6[%dma_wait3A, %dma_wait3A_10] : memref<512x128xf32, #tpu.memory_space<vmem>> -> memref<128x128xf32, #tpu.memory_space<vmem>>
    %dma_wait3A_12 = arith.constant 0 : i32
    %dma_wait3A_13 = tpu.memref_slice %arg5[%dma_wait3A_12] : memref<512xi32, #tpu.memory_space<vmem>> -> memref<128xi32, #tpu.memory_space<vmem>>
    %dma_wait3A_14 = arith.constant 0 : i32
    %dma_wait3A_15 = arith.constant 0 : i32
    %dma_wait3A_16 = tpu.memref_slice %arg3[%dma_wait3A_14, %dma_wait3A_15] : memref<1024x128xf32, #tpu.memory_space<hbm>> -> memref<1024x128xf32, #tpu.memory_space<hbm>>
    tpu.wait_indirect_dma semaphore(%arg7 : memref<!tpu.dma_semaphore, #tpu.memory_space<semaphore_mem>>) src(%dma_wait3A_16 : memref<1024x128xf32, #tpu.memory_space<hbm>>) dst(%dma_wait3A_11 : memref<128x128xf32, #tpu.memory_space<vmem>>)
    %dma_start3A_17 = arith.constant 128 : i32
    %dma_start3A_18 = arith.constant 0 : i32
    %dma_start3A_19 = tpu.memref_slice %arg6[%dma_start3A_17, %dma_start3A_18] : memref<512x128xf32, #tpu.memory_space<vmem>> -> memref<128x128xf32, #tpu.memory_space<vmem>>
    %dma_start3A_20 = arith.constant 128 : i32
    %dma_start3A_21 = tpu.memref_slice %arg5[%dma_start3A_20] : memref<512xi32, #tpu.memory_space<vmem>> -> memref<128xi32, #tpu.memory_space<vmem>>
    %dma_start3A_22 = arith.constant 0 : i32
    %dma_start3A_23 = arith.constant 0 : i32
    %dma_start3A_24 = tpu.memref_slice %arg3[%dma_start3A_22, %dma_start3A_23] : memref<1024x128xf32, #tpu.memory_space<hbm>> -> memref<1024x128xf32, #tpu.memory_space<hbm>>
    tpu.enqueue_indirect_dma source(%dma_start3A_24 : memref<1024x128xf32, #tpu.memory_space<hbm>>) target(%dma_start3A_19 : memref<128x128xf32, #tpu.memory_space<vmem>>) offsets(%dma_start3A_21 : memref<128xi32, #tpu.memory_space<vmem>>) semaphore(%arg7 : memref<!tpu.dma_semaphore, #tpu.memory_space<semaphore_mem>>)
    %dma_wait3A_25 = arith.constant 128 : i32
    %dma_wait3A_26 = arith.constant 0 : i32
    %dma_wait3A_27 = tpu.memref_slice %arg6[%dma_wait3A_25, %dma_wait3A_26] : memref<512x128xf32, #tpu.memory_space<vmem>> -> memref<128x128xf32, #tpu.memory_space<vmem>>
    %dma_wait3A_28 = arith.constant 128 : i32
    %dma_wait3A_29 = tpu.memref_slice %arg5[%dma_wait3A_28] : memref<512xi32, #tpu.memory_space<vmem>> -> memref<128xi32, #tpu.memory_space<vmem>>
    %dma_wait3A_30 = arith.constant 0 : i32
    %dma_wait3A_31 = arith.constant 0 : i32
    %dma_wait3A_32 = tpu.memref_slice %arg3[%dma_wait3A_30, %dma_wait3A_31] : memref<1024x128xf32, #tpu.memory_space<hbm>> -> memref<1024x128xf32, #tpu.memory_space<hbm>>
    tpu.wait_indirect_dma semaphore(%arg7 : memref<!tpu.dma_semaphore, #tpu.memory_space<semaphore_mem>>) src(%dma_wait3A_32 : memref<1024x128xf32, #tpu.memory_space<hbm>>) dst(%dma_wait3A_27 : memref<128x128xf32, #tpu.memory_space<vmem>>)
    %dma_start3A_33 = arith.constant 256 : i32
    %dma_start3A_34 = arith.constant 0 : i32
    %dma_start3A_35 = tpu.memref_slice %arg6[%dma_start3A_33, %dma_start3A_34] : memref<512x128xf32, #tpu.memory_space<vmem>> -> memref<128x128xf32, #tpu.memory_space<vmem>>
    %dma_start3A_36 = arith.constant 256 : i32
    %dma_start3A_37 = tpu.memref_slice %arg5[%dma_start3A_36] : memref<512xi32, #tpu.memory_space<vmem>> -> memref<128xi32, #tpu.memory_space<vmem>>
    %dma_start3A_38 = arith.constant 0 : i32
    %dma_start3A_39 = arith.constant 0 : i32
    %dma_start3A_40 = tpu.memref_slice %arg3[%dma_start3A_38, %dma_start3A_39] : memref<1024x128xf32, #tpu.memory_space<hbm>> -> memref<1024x128xf32, #tpu.memory_space<hbm>>
    tpu.enqueue_indirect_dma source(%dma_start3A_40 : memref<1024x128xf32, #tpu.memory_space<hbm>>) target(%dma_start3A_35 : memref<128x128xf32, #tpu.memory_space<vmem>>) offsets(%dma_start3A_37 : memref<128xi32, #tpu.memory_space<vmem>>) semaphore(%arg7 : memref<!tpu.dma_semaphore, #tpu.memory_space<semaphore_mem>>)
    %dma_wait3A_41 = arith.constant 256 : i32
    %dma_wait3A_42 = arith.constant 0 : i32
    %dma_wait3A_43 = tpu.memref_slice %arg6[%dma_wait3A_41, %dma_wait3A_42] : memref<512x128xf32, #tpu.memory_space<vmem>> -> memref<128x128xf32, #tpu.memory_space<vmem>>
    %dma_wait3A_44 = arith.constant 256 : i32
    %dma_wait3A_45 = tpu.memref_slice %arg5[%dma_wait3A_44] : memref<512xi32, #tpu.memory_space<vmem>> -> memref<128xi32, #tpu.memory_space<vmem>>
    %dma_wait3A_46 = arith.constant 0 : i32
    %dma_wait3A_47 = arith.constant 0 : i32
    %dma_wait3A_48 = tpu.memref_slice %arg3[%dma_wait3A_46, %dma_wait3A_47] : memref<1024x128xf32, #tpu.memory_space<hbm>> -> memref<1024x128xf32, #tpu.memory_space<hbm>>
    tpu.wait_indirect_dma semaphore(%arg7 : memref<!tpu.dma_semaphore, #tpu.memory_space<semaphore_mem>>) src(%dma_wait3A_48 : memref<1024x128xf32, #tpu.memory_space<hbm>>) dst(%dma_wait3A_43 : memref<128x128xf32, #tpu.memory_space<vmem>>)
    %dma_start3A_49 = arith.constant 384 : i32
    %dma_start3A_50 = arith.constant 0 : i32
    %dma_start3A_51 = tpu.memref_slice %arg6[%dma_start3A_49, %dma_start3A_50] : memref<512x128xf32, #tpu.memory_space<vmem>> -> memref<128x128xf32, #tpu.memory_space<vmem>>
    %dma_start3A_52 = arith.constant 384 : i32
    %dma_start3A_53 = tpu.memref_slice %arg5[%dma_start3A_52] : memref<512xi32, #tpu.memory_space<vmem>> -> memref<128xi32, #tpu.memory_space<vmem>>
    %dma_start3A_54 = arith.constant 0 : i32
    %dma_start3A_55 = arith.constant 0 : i32
    %dma_start3A_56 = tpu.memref_slice %arg3[%dma_start3A_54, %dma_start3A_55] : memref<1024x128xf32, #tpu.memory_space<hbm>> -> memref<1024x128xf32, #tpu.memory_space<hbm>>
    tpu.enqueue_indirect_dma source(%dma_start3A_56 : memref<1024x128xf32, #tpu.memory_space<hbm>>) target(%dma_start3A_51 : memref<128x128xf32, #tpu.memory_space<vmem>>) offsets(%dma_start3A_53 : memref<128xi32, #tpu.memory_space<vmem>>) semaphore(%arg7 : memref<!tpu.dma_semaphore, #tpu.memory_space<semaphore_mem>>)
    %dma_wait3A_57 = arith.constant 384 : i32
    %dma_wait3A_58 = arith.constant 0 : i32
    %dma_wait3A_59 = tpu.memref_slice %arg6[%dma_wait3A_57, %dma_wait3A_58] : memref<512x128xf32, #tpu.memory_space<vmem>> -> memref<128x128xf32, #tpu.memory_space<vmem>>
    %dma_wait3A_60 = arith.constant 384 : i32
    %dma_wait3A_61 = tpu.memref_slice %arg5[%dma_wait3A_60] : memref<512xi32, #tpu.memory_space<vmem>> -> memref<128xi32, #tpu.memory_space<vmem>>
    %dma_wait3A_62 = arith.constant 0 : i32
    %dma_wait3A_63 = arith.constant 0 : i32
    %dma_wait3A_64 = tpu.memref_slice %arg3[%dma_wait3A_62, %dma_wait3A_63] : memref<1024x128xf32, #tpu.memory_space<hbm>> -> memref<1024x128xf32, #tpu.memory_space<hbm>>
    tpu.wait_indirect_dma semaphore(%arg7 : memref<!tpu.dma_semaphore, #tpu.memory_space<semaphore_mem>>) src(%dma_wait3A_64 : memref<1024x128xf32, #tpu.memory_space<hbm>>) dst(%dma_wait3A_59 : memref<128x128xf32, #tpu.memory_space<vmem>>)
    "tpu.region"() ({
      %run_scoped3A = tpu.sem_alloc : memref<!tpu.dma_semaphore, #tpu.memory_space<semaphore_mem>>
      %dma_start3A_65 = arith.constant 0 : i32
      %dma_start3A_66 = tpu.memref_slice %arg4[%mul3A_2, %dma_start3A_65] : memref<16384x128xf32, #tpu.memory_space<hbm>> -> memref<512x128xf32, #tpu.memory_space<hbm>>
      %dma_start3A_67 = arith.constant 0 : i32
      %dma_start3A_68 = tpu.memref_slice %arg4[%mul3A_2, %dma_start3A_67] : memref<16384x128xf32, #tpu.memory_space<hbm>> -> memref<512x128xf32, #tpu.memory_space<hbm>>
      tpu.enqueue_dma source(%arg6 : memref<512x128xf32, #tpu.memory_space<vmem>>) target(%dma_start3A_68 : memref<512x128xf32, #tpu.memory_space<hbm>>) target_semaphore(%run_scoped3A : memref<!tpu.dma_semaphore, #tpu.memory_space<semaphore_mem>>)
      %dma_wait3A_69 = arith.constant 0 : i32
      %dma_wait3A_70 = tpu.memref_slice %arg4[%mul3A_2, %dma_wait3A_69] : memref<16384x128xf32, #tpu.memory_space<hbm>> -> memref<512x128xf32, #tpu.memory_space<hbm>>
      %dma_wait3A_71 = arith.constant 0 : i32
      %dma_wait3A_72 = tpu.memref_slice %arg4[%mul3A_2, %dma_wait3A_71] : memref<16384x128xf32, #tpu.memory_space<hbm>> -> memref<512x128xf32, #tpu.memory_space<hbm>>
      tpu.wait_dma2 semaphore(%run_scoped3A : memref<!tpu.dma_semaphore, #tpu.memory_space<semaphore_mem>>) src(%arg6 : memref<512x128xf32, #tpu.memory_space<vmem>>) dst(%dma_wait3A_72 : memref<512x128xf32, #tpu.memory_space<hbm>>)
      tpu.yield
    }) : () -> ()
    return
  }
}

#map = affine_map<(d0, d1) -> (0)>
#map1 = affine_map<(d0, d1) -> (0, 0)>
module attributes {stable_mosaic.version = 14 : i64} {
  func.func @_sc_gather_body(%arg0: i32, %arg1: i32, %arg2: memref<16384xi32, #tpu.memory_space<hbm>>, %arg3: memref<1024x128xf32, #tpu.memory_space<hbm>>, %arg4: memref<16384x128xf32, #tpu.memory_space<hbm>>, %arg5: memref<512xi32, #tpu.memory_space<vmem>>, %arg6: memref<512x128xf32, #tpu.memory_space<vmem>>, %arg7: memref<!tpu.dma_semaphore, #tpu.memory_space<semaphore_mem>>) attributes {dimension_semantics = [#tpu.dimension_semantics<core_parallel>, #tpu.dimension_semantics<subcore_parallel>], iteration_bounds = array<i64: 2, 16>, scalar_prefetch = 0 : i64, scratch_operands = 3 : i64, tpu.core_type = #tpu.core_type<sc_vector_subcore>, window_params = [{transform_indices = #map}, {transform_indices = #map1}, {transform_indices = #map1}]} {
    %mul3A = arith.constant 2 : i32
    %mul3A_0 = arith.muli %arg1, %mul3A : i32
    %add3A = arith.addi %mul3A_0, %arg0 : i32
    %mul3A_1 = arith.constant 512 : i32
    %mul3A_2 = arith.muli %add3A, %mul3A_1 : i32
    "tpu.region"() ({
      %run_scoped3A = tpu.sem_alloc : memref<!tpu.dma_semaphore, #tpu.memory_space<semaphore_mem>>
      %dma_start3A_65 = tpu.memref_slice %arg2[%mul3A_2] : memref<16384xi32, #tpu.memory_space<hbm>> -> memref<512xi32, #tpu.memory_space<hbm>>
      %dma_start3A_66 = tpu.memref_slice %arg2[%mul3A_2] : memref<16384xi32, #tpu.memory_space<hbm>> -> memref<512xi32, #tpu.memory_space<hbm>>
      tpu.enqueue_dma source(%dma_start3A_66 : memref<512xi32, #tpu.memory_space<hbm>>) target(%arg5 : memref<512xi32, #tpu.memory_space<vmem>>) target_semaphore(%run_scoped3A : memref<!tpu.dma_semaphore, #tpu.memory_space<semaphore_mem>>)
      %dma_wait3A_67 = tpu.memref_slice %arg2[%mul3A_2] : memref<16384xi32, #tpu.memory_space<hbm>> -> memref<512xi32, #tpu.memory_space<hbm>>
      %dma_wait3A_68 = tpu.memref_slice %arg2[%mul3A_2] : memref<16384xi32, #tpu.memory_space<hbm>> -> memref<512xi32, #tpu.memory_space<hbm>>
      tpu.wait_dma2 semaphore(%run_scoped3A : memref<!tpu.dma_semaphore, #tpu.memory_space<semaphore_mem>>) src(%dma_wait3A_68 : memref<512xi32, #tpu.memory_space<hbm>>) dst(%arg5 : memref<512xi32, #tpu.memory_space<vmem>>)
      tpu.yield
    }) : () -> ()
    %dma_start3A = arith.constant 0 : i32
    %dma_start3A_3 = arith.constant 0 : i32
    %dma_start3A_4 = tpu.memref_slice %arg6[%dma_start3A, %dma_start3A_3] : memref<512x128xf32, #tpu.memory_space<vmem>> -> memref<128x128xf32, #tpu.memory_space<vmem>>
    %dma_start3A_5 = arith.constant 0 : i32
    %dma_start3A_6 = tpu.memref_slice %arg5[%dma_start3A_5] : memref<512xi32, #tpu.memory_space<vmem>> -> memref<128xi32, #tpu.memory_space<vmem>>
    %dma_start3A_7 = arith.constant 0 : i32
    %dma_start3A_8 = arith.constant 0 : i32
    %dma_start3A_9 = tpu.memref_slice %arg3[%dma_start3A_7, %dma_start3A_8] : memref<1024x128xf32, #tpu.memory_space<hbm>> -> memref<1024x128xf32, #tpu.memory_space<hbm>>
    tpu.enqueue_indirect_dma source(%dma_start3A_9 : memref<1024x128xf32, #tpu.memory_space<hbm>>) target(%dma_start3A_4 : memref<128x128xf32, #tpu.memory_space<vmem>>) offsets(%dma_start3A_6 : memref<128xi32, #tpu.memory_space<vmem>>) semaphore(%arg7 : memref<!tpu.dma_semaphore, #tpu.memory_space<semaphore_mem>>)
    %dma_wait3A = arith.constant 0 : i32
    %dma_wait3A_10 = arith.constant 0 : i32
    %dma_wait3A_11 = tpu.memref_slice %arg6[%dma_wait3A, %dma_wait3A_10] : memref<512x128xf32, #tpu.memory_space<vmem>> -> memref<128x128xf32, #tpu.memory_space<vmem>>
    %dma_wait3A_12 = arith.constant 0 : i32
    %dma_wait3A_13 = tpu.memref_slice %arg5[%dma_wait3A_12] : memref<512xi32, #tpu.memory_space<vmem>> -> memref<128xi32, #tpu.memory_space<vmem>>
    %dma_wait3A_14 = arith.constant 0 : i32
    %dma_wait3A_15 = arith.constant 0 : i32
    %dma_wait3A_16 = tpu.memref_slice %arg3[%dma_wait3A_14, %dma_wait3A_15] : memref<1024x128xf32, #tpu.memory_space<hbm>> -> memref<1024x128xf32, #tpu.memory_space<hbm>>
    tpu.wait_indirect_dma semaphore(%arg7 : memref<!tpu.dma_semaphore, #tpu.memory_space<semaphore_mem>>) src(%dma_wait3A_16 : memref<1024x128xf32, #tpu.memory_space<hbm>>) dst(%dma_wait3A_11 : memref<128x128xf32, #tpu.memory_space<vmem>>)
    %dma_start3A_17 = arith.constant 128 : i32
    %dma_start3A_18 = arith.constant 0 : i32
    %dma_start3A_19 = tpu.memref_slice %arg6[%dma_start3A_17, %dma_start3A_18] : memref<512x128xf32, #tpu.memory_space<vmem>> -> memref<128x128xf32, #tpu.memory_space<vmem>>
    %dma_start3A_20 = arith.constant 128 : i32
    %dma_start3A_21 = tpu.memref_slice %arg5[%dma_start3A_20] : memref<512xi32, #tpu.memory_space<vmem>> -> memref<128xi32, #tpu.memory_space<vmem>>
    %dma_start3A_22 = arith.constant 0 : i32
    %dma_start3A_23 = arith.constant 0 : i32
    %dma_start3A_24 = tpu.memref_slice %arg3[%dma_start3A_22, %dma_start3A_23] : memref<1024x128xf32, #tpu.memory_space<hbm>> -> memref<1024x128xf32, #tpu.memory_space<hbm>>
    tpu.enqueue_indirect_dma source(%dma_start3A_24 : memref<1024x128xf32, #tpu.memory_space<hbm>>) target(%dma_start3A_19 : memref<128x128xf32, #tpu.memory_space<vmem>>) offsets(%dma_start3A_21 : memref<128xi32, #tpu.memory_space<vmem>>) semaphore(%arg7 : memref<!tpu.dma_semaphore, #tpu.memory_space<semaphore_mem>>)
    %dma_wait3A_25 = arith.constant 128 : i32
    %dma_wait3A_26 = arith.constant 0 : i32
    %dma_wait3A_27 = tpu.memref_slice %arg6[%dma_wait3A_25, %dma_wait3A_26] : memref<512x128xf32, #tpu.memory_space<vmem>> -> memref<128x128xf32, #tpu.memory_space<vmem>>
    %dma_wait3A_28 = arith.constant 128 : i32
    %dma_wait3A_29 = tpu.memref_slice %arg5[%dma_wait3A_28] : memref<512xi32, #tpu.memory_space<vmem>> -> memref<128xi32, #tpu.memory_space<vmem>>
    %dma_wait3A_30 = arith.constant 0 : i32
    %dma_wait3A_31 = arith.constant 0 : i32
    %dma_wait3A_32 = tpu.memref_slice %arg3[%dma_wait3A_30, %dma_wait3A_31] : memref<1024x128xf32, #tpu.memory_space<hbm>> -> memref<1024x128xf32, #tpu.memory_space<hbm>>
    tpu.wait_indirect_dma semaphore(%arg7 : memref<!tpu.dma_semaphore, #tpu.memory_space<semaphore_mem>>) src(%dma_wait3A_32 : memref<1024x128xf32, #tpu.memory_space<hbm>>) dst(%dma_wait3A_27 : memref<128x128xf32, #tpu.memory_space<vmem>>)
    %dma_start3A_33 = arith.constant 256 : i32
    %dma_start3A_34 = arith.constant 0 : i32
    %dma_start3A_35 = tpu.memref_slice %arg6[%dma_start3A_33, %dma_start3A_34] : memref<512x128xf32, #tpu.memory_space<vmem>> -> memref<128x128xf32, #tpu.memory_space<vmem>>
    %dma_start3A_36 = arith.constant 256 : i32
    %dma_start3A_37 = tpu.memref_slice %arg5[%dma_start3A_36] : memref<512xi32, #tpu.memory_space<vmem>> -> memref<128xi32, #tpu.memory_space<vmem>>
    %dma_start3A_38 = arith.constant 0 : i32
    %dma_start3A_39 = arith.constant 0 : i32
    %dma_start3A_40 = tpu.memref_slice %arg3[%dma_start3A_38, %dma_start3A_39] : memref<1024x128xf32, #tpu.memory_space<hbm>> -> memref<1024x128xf32, #tpu.memory_space<hbm>>
    tpu.enqueue_indirect_dma source(%dma_start3A_40 : memref<1024x128xf32, #tpu.memory_space<hbm>>) target(%dma_start3A_35 : memref<128x128xf32, #tpu.memory_space<vmem>>) offsets(%dma_start3A_37 : memref<128xi32, #tpu.memory_space<vmem>>) semaphore(%arg7 : memref<!tpu.dma_semaphore, #tpu.memory_space<semaphore_mem>>)
    %dma_wait3A_41 = arith.constant 256 : i32
    %dma_wait3A_42 = arith.constant 0 : i32
    %dma_wait3A_43 = tpu.memref_slice %arg6[%dma_wait3A_41, %dma_wait3A_42] : memref<512x128xf32, #tpu.memory_space<vmem>> -> memref<128x128xf32, #tpu.memory_space<vmem>>
    %dma_wait3A_44 = arith.constant 256 : i32
    %dma_wait3A_45 = tpu.memref_slice %arg5[%dma_wait3A_44] : memref<512xi32, #tpu.memory_space<vmem>> -> memref<128xi32, #tpu.memory_space<vmem>>
    %dma_wait3A_46 = arith.constant 0 : i32
    %dma_wait3A_47 = arith.constant 0 : i32
    %dma_wait3A_48 = tpu.memref_slice %arg3[%dma_wait3A_46, %dma_wait3A_47] : memref<1024x128xf32, #tpu.memory_space<hbm>> -> memref<1024x128xf32, #tpu.memory_space<hbm>>
    tpu.wait_indirect_dma semaphore(%arg7 : memref<!tpu.dma_semaphore, #tpu.memory_space<semaphore_mem>>) src(%dma_wait3A_48 : memref<1024x128xf32, #tpu.memory_space<hbm>>) dst(%dma_wait3A_43 : memref<128x128xf32, #tpu.memory_space<vmem>>)
    %dma_start3A_49 = arith.constant 384 : i32
    %dma_start3A_50 = arith.constant 0 : i32
    %dma_start3A_51 = tpu.memref_slice %arg6[%dma_start3A_49, %dma_start3A_50] : memref<512x128xf32, #tpu.memory_space<vmem>> -> memref<128x128xf32, #tpu.memory_space<vmem>>
    %dma_start3A_52 = arith.constant 384 : i32
    %dma_start3A_53 = tpu.memref_slice %arg5[%dma_start3A_52] : memref<512xi32, #tpu.memory_space<vmem>> -> memref<128xi32, #tpu.memory_space<vmem>>
    %dma_start3A_54 = arith.constant 0 : i32
    %dma_start3A_55 = arith.constant 0 : i32
    %dma_start3A_56 = tpu.memref_slice %arg3[%dma_start3A_54, %dma_start3A_55] : memref<1024x128xf32, #tpu.memory_space<hbm>> -> memref<1024x128xf32, #tpu.memory_space<hbm>>
    tpu.enqueue_indirect_dma source(%dma_start3A_56 : memref<1024x128xf32, #tpu.memory_space<hbm>>) target(%dma_start3A_51 : memref<128x128xf32, #tpu.memory_space<vmem>>) offsets(%dma_start3A_53 : memref<128xi32, #tpu.memory_space<vmem>>) semaphore(%arg7 : memref<!tpu.dma_semaphore, #tpu.memory_space<semaphore_mem>>)
    %dma_wait3A_57 = arith.constant 384 : i32
    %dma_wait3A_58 = arith.constant 0 : i32
    %dma_wait3A_59 = tpu.memref_slice %arg6[%dma_wait3A_57, %dma_wait3A_58] : memref<512x128xf32, #tpu.memory_space<vmem>> -> memref<128x128xf32, #tpu.memory_space<vmem>>
    %dma_wait3A_60 = arith.constant 384 : i32
    %dma_wait3A_61 = tpu.memref_slice %arg5[%dma_wait3A_60] : memref<512xi32, #tpu.memory_space<vmem>> -> memref<128xi32, #tpu.memory_space<vmem>>
    %dma_wait3A_62 = arith.constant 0 : i32
    %dma_wait3A_63 = arith.constant 0 : i32
    %dma_wait3A_64 = tpu.memref_slice %arg3[%dma_wait3A_62, %dma_wait3A_63] : memref<1024x128xf32, #tpu.memory_space<hbm>> -> memref<1024x128xf32, #tpu.memory_space<hbm>>
    tpu.wait_indirect_dma semaphore(%arg7 : memref<!tpu.dma_semaphore, #tpu.memory_space<semaphore_mem>>) src(%dma_wait3A_64 : memref<1024x128xf32, #tpu.memory_space<hbm>>) dst(%dma_wait3A_59 : memref<128x128xf32, #tpu.memory_space<vmem>>)
    "tpu.region"() ({
      %run_scoped3A = tpu.sem_alloc : memref<!tpu.dma_semaphore, #tpu.memory_space<semaphore_mem>>
      %dma_start3A_65 = arith.constant 0 : i32
      %dma_start3A_66 = tpu.memref_slice %arg4[%mul3A_2, %dma_start3A_65] : memref<16384x128xf32, #tpu.memory_space<hbm>> -> memref<512x128xf32, #tpu.memory_space<hbm>>
      %dma_start3A_67 = arith.constant 0 : i32
      %dma_start3A_68 = tpu.memref_slice %arg4[%mul3A_2, %dma_start3A_67] : memref<16384x128xf32, #tpu.memory_space<hbm>> -> memref<512x128xf32, #tpu.memory_space<hbm>>
      tpu.enqueue_dma source(%arg6 : memref<512x128xf32, #tpu.memory_space<vmem>>) target(%dma_start3A_68 : memref<512x128xf32, #tpu.memory_space<hbm>>) target_semaphore(%run_scoped3A : memref<!tpu.dma_semaphore, #tpu.memory_space<semaphore_mem>>)
      %dma_wait3A_69 = arith.constant 0 : i32
      %dma_wait3A_70 = tpu.memref_slice %arg4[%mul3A_2, %dma_wait3A_69] : memref<16384x128xf32, #tpu.memory_space<hbm>> -> memref<512x128xf32, #tpu.memory_space<hbm>>
      %dma_wait3A_71 = arith.constant 0 : i32
      %dma_wait3A_72 = tpu.memref_slice %arg4[%mul3A_2, %dma_wait3A_71] : memref<16384x128xf32, #tpu.memory_space<hbm>> -> memref<512x128xf32, #tpu.memory_space<hbm>>
      tpu.wait_dma2 semaphore(%run_scoped3A : memref<!tpu.dma_semaphore, #tpu.memory_space<semaphore_mem>>) src(%arg6 : memref<512x128xf32, #tpu.memory_space<vmem>>) dst(%dma_wait3A_72 : memref<512x128xf32, #tpu.memory_space<hbm>>)
      tpu.yield
    }) : () -> ()
    return
  }
}

module attributes {stable_mosaic.version = 14 : i64} {
  func.func @_vq_block(%arg0: i32, %arg1: i32, %arg2: memref<1x64x4096xf32, #tpu.memory_space<vmem>>, %arg3: memref<1024x64xf32, #tpu.memory_space<vmem>>, %arg4: memref<1x1x1x4096xi32, #tpu.memory_space<vmem>>, %arg5: memref<1x1xf32, #tpu.memory_space<vmem>>, %arg6: memref<1024x3xbf16, #tpu.memory_space<vmem>>, %arg7: memref<1024x1xf32, #tpu.memory_space<vmem>>) attributes {dimension_semantics = [#tpu.dimension_semantics<arbitrary>, #tpu.dimension_semantics<arbitrary>], iteration_bounds = array<i64: 8, 1>, scalar_prefetch = 0 : i64, scratch_operands = 2 : i64, tpu.core_type = #tpu.core_type<tc>, window_params = [{transform_indices = @transform_0, window_bounds = array<i64: 1, 64, 4096>}, {pipeline_mode = #tpu.pipeline_mode<synchronous>, transform_indices = @transform_1, window_bounds = array<i64: 1024, 64>}, {transform_indices = @transform_2, window_bounds = array<i64: 1, 1, 1, 4096>}, {pipeline_mode = #tpu.pipeline_mode<synchronous>, transform_indices = @transform_3, window_bounds = array<i64: 1, 1>}]} {
    %eq3A = arith.constant 0 : i32
    %eq3A_0 = arith.cmpi eq, %arg0, %eq3A : i32
    %eq3A_1 = arith.constant 0 : i32
    %eq3A_2 = arith.cmpi eq, %arg1, %eq3A_1 : i32
    %and3A = arith.andi %eq3A_0, %eq3A_2 : i1
    %convert_element_type3A = arith.extui %and3A : i1 to i32
    %cond3A = arith.constant 0 : i32
    %cond3A_3 = arith.cmpi ne, %convert_element_type3A, %cond3A : i32
    scf.if %cond3A_3 {
      %get3A_69 = arith.constant 0 : index
      %get3A_70 = arith.constant 0 : index
      %get3A_71 = vector.load %arg3[%get3A_69, %get3A_70] : memref<1024x64xf32, #tpu.memory_space<vmem>>, vector<1024x64xf32>
      %broadcast_in_dim3A_72 = arith.constant 1.000000e+00 : f32
      %broadcast_in_dim3A_73 = vector.broadcast %broadcast_in_dim3A_72 : f32 to vector<1024x1xf32>
      %iota3A = tpu.iota {dimensions = array<i32: 0>} : vector<1024x1xi32>
      %jit3A = arith.constant 128 : i32
      %div3A = vector.broadcast %jit3A : i32 to vector<1024x1xi32>
      %div3A_74 = arith.divsi %iota3A, %div3A : vector<1024x1xi32>
      %sign3A = arith.constant 0 : i32
      %sign3A_75 = vector.broadcast %sign3A : i32 to vector<1024x1xi32>
      %sign3A_76 = arith.cmpi sgt, %iota3A, %sign3A_75 : vector<1024x1xi32>
      %sign3A_77 = arith.extui %sign3A_76 : vector<1024x1xi1> to vector<1024x1xi32>
      %sign3A_78 = arith.constant 0 : i32
      %sign3A_79 = vector.broadcast %sign3A_78 : i32 to vector<1024x1xi32>
      %sign3A_80 = arith.cmpi slt, %iota3A, %sign3A_79 : vector<1024x1xi32>
      %sign3A_81 = arith.extui %sign3A_80 : vector<1024x1xi1> to vector<1024x1xi32>
      %sign3A_82 = arith.subi %sign3A_77, %sign3A_81 : vector<1024x1xi32>
      %sign3A_83 = arith.constant 0 : i32
      %sign3A_84 = arith.cmpi sgt, %jit3A, %sign3A_83 : i32
      %sign3A_85 = arith.extui %sign3A_84 : i1 to i32
      %sign3A_86 = arith.constant 0 : i32
      %sign3A_87 = arith.cmpi slt, %jit3A, %sign3A_86 : i32
      %sign3A_88 = arith.extui %sign3A_87 : i1 to i32
      %sign3A_89 = arith.subi %sign3A_85, %sign3A_88 : i32
      %ne3A = vector.broadcast %sign3A_89 : i32 to vector<1024x1xi32>
      %ne3A_90 = arith.cmpi ne, %sign3A_82, %ne3A : vector<1024x1xi32>
      %rem3A = vector.broadcast %jit3A : i32 to vector<1024x1xi32>
      %rem3A_91 = arith.remsi %iota3A, %rem3A : vector<1024x1xi32>
      %ne3A_92 = arith.constant 0 : i32
      %ne3A_93 = vector.broadcast %ne3A_92 : i32 to vector<1024x1xi32>
      %ne3A_94 = arith.cmpi ne, %rem3A_91, %ne3A_93 : vector<1024x1xi32>
      %and3A_95 = arith.andi %ne3A_90, %ne3A_94 : vector<1024x1xi1>
      %sub3A_96 = arith.constant 1 : i32
      %sub3A_97 = vector.broadcast %sub3A_96 : i32 to vector<1024x1xi32>
      %sub3A_98 = arith.subi %div3A_74, %sub3A_97 : vector<1024x1xi32>
      %select_n3A = arith.select %and3A_95, %sub3A_98, %div3A_74 : vector<1024x1xi1>, vector<1024x1xi32>
      %convert_element_type3A_99 = arith.sitofp %select_n3A : vector<1024x1xi32> to vector<1024x1xf32>
      %jit3A_100 = arith.constant 128 : i32
      %eq3A_101 = arith.constant 0 : i32
      %eq3A_102 = arith.cmpi eq, %jit3A_100, %eq3A_101 : i32
      %jit3A_103 = arith.constant 1 : i32
      %select_n3A_104 = arith.select %eq3A_102, %jit3A_103, %jit3A_100 : i32
      %rem3A_105 = vector.broadcast %select_n3A_104 : i32 to vector<1024x1xi32>
      %rem3A_106 = arith.remsi %iota3A, %rem3A_105 : vector<1024x1xi32>
      %ne3A_107 = arith.constant 0 : i32
      %ne3A_108 = vector.broadcast %ne3A_107 : i32 to vector<1024x1xi32>
      %ne3A_109 = arith.cmpi ne, %rem3A_106, %ne3A_108 : vector<1024x1xi32>
      %lt3A = arith.constant 0 : i32
      %lt3A_110 = vector.broadcast %lt3A : i32 to vector<1024x1xi32>
      %lt3A_111 = arith.cmpi slt, %rem3A_106, %lt3A_110 : vector<1024x1xi32>
      %lt3A_112 = arith.constant 0 : i32
      %lt3A_113 = arith.cmpi slt, %select_n3A_104, %lt3A_112 : i32
      %ne3A_114 = vector.broadcast %lt3A_113 : i1 to vector<1024x1xi1>
      %ne3A_115 = vector.broadcast %ne3A_114 : vector<1024x1xi1> to vector<1024x1xi1>
      %ne3A_116 = arith.xori %lt3A_111, %ne3A_115 : vector<1024x1xi1>
      %and3A_117 = arith.andi %ne3A_116, %ne3A_109 : vector<1024x1xi1>
      %add3A_118 = vector.broadcast %select_n3A_104 : i32 to vector<1024x1xi32>
      %add3A_119 = arith.addi %rem3A_106, %add3A_118 : vector<1024x1xi32>
      %select_n3A_120 = arith.select %and3A_117, %add3A_119, %rem3A_106 : vector<1024x1xi1>, vector<1024x1xi32>
      %convert_element_type3A_121 = arith.sitofp %select_n3A_120 : vector<1024x1xi32> to vector<1024x1xf32>
      %concatenate3A = tpu.concatenate %broadcast_in_dim3A_73, %convert_element_type3A_99, %convert_element_type3A_121 in 1 : vector<1024x1xf32>, vector<1024x1xf32>, vector<1024x1xf32> -> vector<1024x3xf32>
      %convert_element_type3A_122 = arith.truncf %concatenate3A : vector<1024x3xf32> to vector<1024x3xbf16>
      %swap3A_123 = arith.constant 0 : index
      %swap3A_124 = arith.constant 0 : index
      %swap3A_125 = vector.load %arg6[%swap3A_123, %swap3A_124] : memref<1024x3xbf16, #tpu.memory_space<vmem>>, vector<1024x3xbf16>
      tpu.vector_store %arg6[%swap3A_123, %swap3A_124], %convert_element_type3A_122 {strides = array<i32>} : memref<1024x3xbf16, #tpu.memory_space<vmem>>, vector<1024x3xbf16>,
      %mul3A_126 = arith.mulf %get3A_71, %get3A_71 : vector<1024x64xf32>
      %reduce_sum3A_127 = arith.constant dense<0.000000e+00> : vector<1024xf32>
      %reduce_sum3A_128 = vector.multi_reduction <add>, %mul3A_126, %reduce_sum3A_127 [1] : vector<1024x64xf32> to vector<1024xf32>
      %broadcast_in_dim3A_129 = vector.shape_cast %reduce_sum3A_128 : vector<1024xf32> to vector<1024x1xf32>
      %swap3A_130 = arith.constant 0 : index
      %swap3A_131 = arith.constant 0 : index
      %swap3A_132 = vector.load %arg7[%swap3A_130, %swap3A_131] : memref<1024x1xf32, #tpu.memory_space<vmem>>, vector<1024x1xf32>
      tpu.vector_store %arg7[%swap3A_130, %swap3A_131], %broadcast_in_dim3A_129 {strides = array<i32>} : memref<1024x1xf32, #tpu.memory_space<vmem>>, vector<1024x1xf32>,
      %broadcast_in_dim3A_133 = arith.constant 0.000000e+00 : f32
      %broadcast_in_dim3A_134 = vector.broadcast %broadcast_in_dim3A_133 : f32 to vector<1x1xf32>
      %swap3A_135 = arith.constant 0 : index
      %swap3A_136 = arith.constant 0 : index
      %swap3A_137 = vector.load %arg5[%swap3A_135, %swap3A_136] : memref<1x1xf32, #tpu.memory_space<vmem>>, vector<1x1xf32>
      tpu.vector_store %arg5[%swap3A_135, %swap3A_136], %broadcast_in_dim3A_134 {strides = array<i32>} : memref<1x1xf32, #tpu.memory_space<vmem>>, vector<1x1xf32>,
    } else {
    }
    %get3A = arith.constant 0 : index
    %get3A_4 = arith.constant 0 : index
    %get3A_5 = arith.constant 0 : index
    %get3A_6 = vector.load %arg2[%get3A, %get3A_4, %get3A_5] : memref<1x64x4096xf32, #tpu.memory_space<vmem>>, vector<1x64x4096xf32>
    %get3A_7 = vector.shape_cast %get3A_6 : vector<1x64x4096xf32> to vector<64x4096xf32>
    %get3A_8 = arith.constant 0 : index
    %get3A_9 = arith.constant 0 : index
    %get3A_10 = vector.load %arg3[%get3A_8, %get3A_9] : memref<1024x64xf32, #tpu.memory_space<vmem>>, vector<1024x64xf32>
    %get3A_11 = arith.constant 0 : index
    %get3A_12 = arith.constant 0 : index
    %get3A_13 = vector.load %arg3[%get3A_11, %get3A_12] : memref<1024x64xf32, #tpu.memory_space<vmem>>, vector<1024x64xf32>
    %add3A = arith.addf %get3A_10, %get3A_13 : vector<1024x64xf32>
    %dot_general3A = arith.constant dense<0.000000e+00> : vector<1024x4096xf32>
    %dot_general3A_14 = tpu.matmul %add3A, %get3A_7, %dot_general3A {dimension_numbers = #tpu.dot_dimension_numbers<[1], [0], [0], [1], [0, 0, 1, 1], [], []>, transpose_lhs_hint = false} : vector<1024x64xf32>, vector<64x4096xf32>, vector<1024x4096xf32> -> vector<1024x4096xf32>
    %mul3A = arith.mulf %get3A_7, %get3A_7 : vector<64x4096xf32>
    %reduce_sum3A = arith.constant dense<0.000000e+00> : vector<4096xf32>
    %reduce_sum3A_15 = vector.multi_reduction <add>, %mul3A, %reduce_sum3A [0] : vector<64x4096xf32> to vector<4096xf32>
    %broadcast_in_dim3A = vector.shape_cast %reduce_sum3A_15 : vector<4096xf32> to vector<1x4096xf32>
    %get3A_16 = arith.constant 0 : index
    %get3A_17 = arith.constant 0 : index
    %get3A_18 = vector.load %arg7[%get3A_16, %get3A_17] : memref<1024x1xf32, #tpu.memory_space<vmem>>, vector<1024x1xf32>
    %add3A_19 = vector.broadcast %broadcast_in_dim3A : vector<1x4096xf32> to vector<1024x4096xf32>
    %add3A_20 = vector.broadcast %get3A_18 : vector<1024x1xf32> to vector<1024x4096xf32>
    %add3A_21 = arith.addf %add3A_19, %add3A_20 : vector<1024x4096xf32>
    %sub3A = arith.subf %add3A_21, %dot_general3A_14 : vector<1024x4096xf32>
    %reduce_min3A = arith.constant dense<0x7F800000> : vector<4096xf32>
    %reduce_min3A_22 = vector.multi_reduction <minimumf>, %sub3A, %reduce_min3A [0] : vector<1024x4096xf32> to vector<4096xf32>
    %broadcast_in_dim3A_23 = vector.shape_cast %reduce_min3A_22 : vector<4096xf32> to vector<1x4096xf32>
    %eq3A_24 = vector.broadcast %broadcast_in_dim3A_23 : vector<1x4096xf32> to vector<1024x4096xf32>
    %eq3A_25 = arith.cmpf oeq, %sub3A, %eq3A_24 : vector<1024x4096xf32>
    %convert_element_type3A_26 = arith.extui %eq3A_25 : vector<1024x4096xi1> to vector<1024x4096xi32>
    %convert_element_type3A_27 = arith.sitofp %convert_element_type3A_26 : vector<1024x4096xi32> to vector<1024x4096xf32>
    %convert_element_type3A_28 = arith.truncf %convert_element_type3A_27 : vector<1024x4096xf32> to vector<1024x4096xbf16>
    %get3A_29 = arith.constant 0 : index
    %get3A_30 = arith.constant 0 : index
    %get3A_31 = vector.load %arg6[%get3A_29, %get3A_30] : memref<1024x3xbf16, #tpu.memory_space<vmem>>, vector<1024x3xbf16>
    %dot_general3A_32 = arith.constant dense<0.000000e+00> : vector<3x4096xf32>
    %dot_general3A_33 = tpu.matmul %get3A_31, %convert_element_type3A_28, %dot_general3A_32 {dimension_numbers = #tpu.dot_dimension_numbers<[0], [0], [1], [1], [0, 1, 1, 1], [], []>, transpose_lhs_hint = false} : vector<1024x3xbf16>, vector<1024x4096xbf16>, vector<3x4096xf32> -> vector<3x4096xf32>
    %slice3A = vector.extract_strided_slice %dot_general3A_33 {offsets = [0, 0], sizes = [1, 4096], strides = [1, 1]} : vector<3x4096xf32> to vector<1x4096xf32>
    %slice3A_34 = vector.extract_strided_slice %dot_general3A_33 {offsets = [1, 0], sizes = [1, 4096], strides = [1, 1]} : vector<3x4096xf32> to vector<1x4096xf32>
    %mul3A_35 = arith.constant 1.280000e+02 : f32
    %mul3A_36 = vector.broadcast %mul3A_35 : f32 to vector<1x4096xf32>
    %mul3A_37 = arith.mulf %slice3A_34, %mul3A_36 : vector<1x4096xf32>
    %slice3A_38 = vector.extract_strided_slice %dot_general3A_33 {offsets = [2, 0], sizes = [1, 4096], strides = [1, 1]} : vector<3x4096xf32> to vector<1x4096xf32>
    %add3A_39 = arith.addf %mul3A_37, %slice3A_38 : vector<1x4096xf32>
    %convert_element_type3A_40 = arith.fptosi %add3A_39 : vector<1x4096xf32> to vector<1x4096xi32>
    %swap3A = arith.constant 0 : index
    %swap3A_41 = arith.constant 0 : index
    %swap3A_42 = arith.constant 0 : index
    %swap3A_43 = arith.constant 0 : index
    %swap3A_44 = vector.load %arg4[%swap3A, %swap3A_41, %swap3A_42, %swap3A_43] : memref<1x1x1x4096xi32, #tpu.memory_space<vmem>>, vector<1x1x1x4096xi32>
    %swap3A_45 = vector.shape_cast %swap3A_44 : vector<1x1x1x4096xi32> to vector<1x4096xi32>
    %swap3A_46 = vector.shape_cast %convert_element_type3A_40 : vector<1x4096xi32> to vector<1x1x1x4096xi32>
    tpu.vector_store %arg4[%swap3A, %swap3A_41, %swap3A_42, %swap3A_43], %swap3A_46 {strides = array<i32>} : memref<1x1x1x4096xi32, #tpu.memory_space<vmem>>, vector<1x1x1x4096xi32>,
    %reduce_sum3A_47 = vector.shape_cast %slice3A : vector<1x4096xf32> to vector<1x1x4096xf32>
    %reduce_sum3A_48 = arith.constant dense<0.000000e+00> : vector<1xf32>
    %reduce_sum3A_49 = vector.multi_reduction <add>, %reduce_sum3A_47, %reduce_sum3A_48 [1, 2] : vector<1x1x4096xf32> to vector<1xf32>
    %reduce_sum3A_50 = vector.shape_cast %reduce_sum3A_49 : vector<1xf32> to vector<1x1x1xf32>
    %reduce_sum3A_51 = vector.extract %reduce_sum3A_50[0, 0, 0] : f32 from vector<1x1x1xf32>
    %gt3A = arith.constant 4.096500e+03 : f32
    %gt3A_52 = arith.cmpf ogt, %reduce_sum3A_51, %gt3A : f32
    %convert_element_type3A_53 = arith.extui %gt3A_52 : i1 to i32
    %cond3A_54 = arith.constant 0 : i32
    %cond3A_55 = arith.cmpi ne, %convert_element_type3A_53, %cond3A_54 : i32
    scf.if %cond3A_55 {
      %iota3A = tpu.iota {dimensions = array<i32: 0>} : vector<1024x4096xi32>
      %convert_element_type3A_69 = arith.sitofp %iota3A : vector<1024x4096xi32> to vector<1024x4096xf32>
      %jit3A = arith.constant 1.024000e+03 : f32
      %broadcast_in_dim3A_70 = vector.broadcast %jit3A : f32 to vector<1024x4096xf32>
      %select_n3A = arith.select %eq3A_25, %convert_element_type3A_69, %broadcast_in_dim3A_70 : vector<1024x4096xi1>, vector<1024x4096xf32>
      %reduce_min3A_71 = arith.constant dense<0x7F800000> : vector<4096xf32>
      %reduce_min3A_72 = vector.multi_reduction <minimumf>, %select_n3A, %reduce_min3A_71 [0] : vector<1024x4096xf32> to vector<4096xf32>
      %broadcast_in_dim3A_73 = vector.shape_cast %reduce_min3A_72 : vector<4096xf32> to vector<1x4096xf32>
      %convert_element_type3A_74 = arith.fptosi %broadcast_in_dim3A_73 : vector<1x4096xf32> to vector<1x4096xi32>
      %swap3A_75 = arith.constant 0 : index
      %swap3A_76 = arith.constant 0 : index
      %swap3A_77 = arith.constant 0 : index
      %swap3A_78 = arith.constant 0 : index
      %swap3A_79 = vector.load %arg4[%swap3A_75, %swap3A_76, %swap3A_77, %swap3A_78] : memref<1x1x1x4096xi32, #tpu.memory_space<vmem>>, vector<1x1x1x4096xi32>
      %swap3A_80 = vector.shape_cast %swap3A_79 : vector<1x1x1x4096xi32> to vector<1x4096xi32>
      %swap3A_81 = vector.shape_cast %convert_element_type3A_74 : vector<1x4096xi32> to vector<1x1x1x4096xi32>
      tpu.vector_store %arg4[%swap3A_75, %swap3A_76, %swap3A_77, %swap3A_78], %swap3A_81 {strides = array<i32>} : memref<1x1x1x4096xi32, #tpu.memory_space<vmem>>, vector<1x1x1x4096xi32>,
    } else {
    }
    %get3A_56 = arith.constant 0 : index
    %get3A_57 = arith.constant 0 : index
    %get3A_58 = vector.load %arg5[%get3A_56, %get3A_57] : memref<1x1xf32, #tpu.memory_space<vmem>>, vector<1x1xf32>
    %reduce_sum3A_59 = vector.shape_cast %broadcast_in_dim3A_23 : vector<1x4096xf32> to vector<1x1x4096xf32>
    %reduce_sum3A_60 = arith.constant dense<0.000000e+00> : vector<1xf32>
    %reduce_sum3A_61 = vector.multi_reduction <add>, %reduce_sum3A_59, %reduce_sum3A_60 [1, 2] : vector<1x1x4096xf32> to vector<1xf32>
    %reduce_sum3A_62 = vector.shape_cast %reduce_sum3A_61 : vector<1xf32> to vector<1x1x1xf32>
    %reduce_sum3A_63 = vector.extract %reduce_sum3A_62[0, 0, 0] : f32 from vector<1x1x1xf32>
    %broadcast_in_dim3A_64 = vector.broadcast %reduce_sum3A_63 : f32 to vector<1x1xf32>
    %add3A_65 = arith.addf %get3A_58, %broadcast_in_dim3A_64 : vector<1x1xf32>
    %swap3A_66 = arith.constant 0 : index
    %swap3A_67 = arith.constant 0 : index
    %swap3A_68 = vector.load %arg5[%swap3A_66, %swap3A_67] : memref<1x1xf32, #tpu.memory_space<vmem>>, vector<1x1xf32>
    tpu.vector_store %arg5[%swap3A_66, %swap3A_67], %add3A_65 {strides = array<i32>} : memref<1x1xf32, #tpu.memory_space<vmem>>, vector<1x1xf32>,
    return
  }
  func.func @transform_0(%arg0: i32, %arg1: i32) -> (i32, i32, i32) {
    %c0_i32 = arith.constant 0 : i32
    %c0_i32_0 = arith.constant 0 : i32
    return %arg0, %c0_i32, %arg1 : i32, i32, i32
  }
  func.func @transform_1(%arg0: i32, %arg1: i32) -> (i32, i32) {
    %c0_i32 = arith.constant 0 : i32
    %c0_i32_0 = arith.constant 0 : i32
    %c0_i32_1 = arith.constant 0 : i32
    return %c0_i32, %c0_i32_0 : i32, i32
  }
  func.func @transform_2(%arg0: i32, %arg1: i32) -> (i32, i32, i32, i32) {
    %c0_i32 = arith.constant 0 : i32
    %c0_i32_0 = arith.constant 0 : i32
    %c0_i32_1 = arith.constant 0 : i32
    return %arg0, %arg1, %c0_i32, %c0_i32_0 : i32, i32, i32, i32
  }
  func.func @transform_3(%arg0: i32, %arg1: i32) -> (i32, i32) {
    %c0_i32 = arith.constant 0 : i32
    %c0_i32_0 = arith.constant 0 : i32
    %c0_i32_1 = arith.constant 0 : i32
    return %c0_i32, %c0_i32_0 : i32, i32
  }
}

</mosaic_0001>

<sc_bundles>
// kernel: kernel.5.cloned.1.call-start
scs
__scs_entry_jumppad:
0x0: {  	(pc) =	sbr.rel $0x88, $3  }
0x1: {  	(tag) =	ssettag $0x0;
	lr =	simm.s32 $0x1  }
0x2: {  	[smem:$0x3F9F] =	sst lr;
	_ =	strace $0xD0000000  }
0x3: {  	_ = 	snop  }
0x4: {  	_ = 	snop  }
0x5: {  	_ = 	snop  }
0x6: {  	_ = 	snop  }
0x7: {  	_ = 	snop  }
__scs_overlays_trampoline_lowered:
0x8: {  	[smem:$0x3FAE] =	sst s0  }
0x9: {  	[smem:$0x3FAF] =	sst s1  }
0xa: {  	[smem:$0x3FB0] =	sst s2  }
0xb: {  	[smem:$0x3FB1] =	sst s3  }
0xc: {  	[smem:$0x3FB2] =	sst s4  }
0xd: {  	[smem:$0x3FB3] =	sst s5  }
0xe: {  	[smem:$0x3FB4] =	sst s6  }
0xf: {  	[smem:$0x3FB5] =	sst s7  }
0x10: {  	[smem:$0x3FB6] =	sst s8  }
0x11: {  	[smem:$0x3FB7] =	sst s9;
	s0 =	simm.s32 @!p0 $0x0  }
0x12: {  	s1 =	sld [smem:$0x3F9D];
	s0 =	simm.s32 @p0 $0x1  }
0x13: {  	[smem:$0x3FB8] =	sst s0;
	s0 =	simm.s32 @!p1 $0x0  }
0x14: {  	s2 =	sld [smem:$0x3F9C];
	s0 =	simm.s32 @p1 $0x1  }
0x15: {  	[smem:$0x3FB9] =	sst s0;
	s0 =	simm.s32 @!p2 $0x0  }
0x16: {  	s3 =	sld [smem:$0x3FDB];
	s0 =	simm.s32 @p2 $0x1  }
0x17: {  	s4 =	simm.s32 $0x1BF5;
	[smem:$0x3FBB] =	sst s0  }
0x18: {  	s0 =	sld [smem:$0x3F9E];
	_ =	swait.ge [sflag:s4], $0x0  }
0x19: {  	s7 =	sld [smem:$0x3F9F]  }
0x1a: {  	s8 =	sadd.s32 $0xFFFFE003, lr  }
0x1b: {  	s9 =	sadd.s32 $0xFFFFFEF7, lr;
	s5 =	simm.s32 $0xFFFFFFFF;
	p2 =	slt.u32 s8, $0xFFFFF086  }
0x1c: {  	p1 =	slt.u32 s9, $0xF7A;
	s5 =	simm.s32 @!p2 $0x0  }
0x1d: {  	s5 =	simm.s32 @p1 $0x1;
	p0 =	seq.s32 s7, s2  }
0x1e: {  	s7 =	smul.u32 @!p0 $0xF7A, s2;
	p2 =	seq.s32 @!p0 s5, $0x0  }
0x1f: {  	s9 =	smul.u32 $0xF7A, s1;
	s8 =	simm.s32 @!p0 $0x1BF5;
	p2 =	por !p2, p0  }
0x20: {  	[sflag:s8] =	ssyncset.s32 @!p0 $0xFFFFF086;
	s6 =	sadd.s32 @!p0 s3, s7;
	s7 =	simm.s32 @!p0 $0x108  }
0x21: {  	s3 =	sadd.s32 s3, s9;
	s6 =	sadd.s32 @!p0 $0x88, s6;
	s7 =	simm.s32 @p2 $0x1082  }
0x22: {  	[simem:s7], [sflag:s8] =	dma.local @!p0 [hbm:s6], $0xF7A  }
0x23: {  	s9 =	sor.u32 $0xD0000000, s2;
	s6 =	simm.s32 $0x108;
	_ =	swait.ge @!p0 [sflag:s8], $0x0  }
0x24: {  	s3 =	sadd.s32 $0x88, s3;
	s6 =	simm.s32 @!p1 $0x1082;
	[sflag:s4] =	ssyncset.s32 $0xFFFFF086  }
0x25: {  	[simem:s6], [sflag:s4] =	dma.local [hbm:s3], $0xF7A  }
0x26: {  	[smem:$0x3F9F] =	sst s1;
	(tag) =	ssettag s2;
	_ =	strace s9  }
0x27: {  	s1 =	sld [smem:$0x3FAF]  }
0x28: {  	s2 =	sld [smem:$0x3FB0]  }
0x29: {  	s4 =	sld [smem:$0x3FB2]  }
0x2a: {  	p0 =	seq.s32 s5, $0x0;
	s5 =	sld [smem:$0x3FB3]  }
0x2b: {  	s6 =	sld [smem:$0x3FB4]  }
0x2c: {  	s7 =	sld [smem:$0x3FB5]  }
0x2d: {  	s3 =	simm.s32 $0x108;
	s8 =	sld [smem:$0x3FB6]  }
0x2e: {  	s3 =	simm.s32 @!p0 $0x1082;
	s9 =	sld [smem:$0x3FB7]  }
0x2f: {  	lr =	sadd.s32 s0, s3;
	s0 =	sld [smem:$0x3FAE]  }
0x30: {  	s3 =	sld [smem:$0x3FB1]  }
0x31: {  	[smem:$0x3FBA] =	sst s10  }
0x32: {  	s10 =	sld [smem:$0x3FB8];
	_ =	sdelay $0x3  }
0x33: {  	p0 =	seq.s32 s10, $0x1;
	s10 =	sld [smem:$0x3FBA];
	_ =	sdelay $0x3  }
0x34: {  	[smem:$0x3FBA] =	sst s10  }
0x35: {  	s10 =	sld [smem:$0x3FB9];
	_ =	sdelay $0x3  }
0x36: {  	p1 =	seq.s32 s10, $0x1;
	s10 =	sld [smem:$0x3FBA];
	_ =	sdelay $0x3  }
0x37: {  	[smem:$0x3FBA] =	sst s10  }
0x38: {  	s10 =	sld [smem:$0x3FBB]  }
0x39: {  	_ = 	snop;
	(pc) =	sbr.ind lr, $3  }
0x3a: {  	_ = 	snop  }
0x3b: {  	_ = 	snop  }
0x3c: {  	p2 =	seq.s32 s10, $0x1;
	s10 =	sld [smem:$0x3FBA]  }
0x3d: {  	_ =	shalt  }
0x3e: {  	_ =	shalt  }
0x3f: {  	_ =	shalt  }
0x40: {  	_ =	shalt  }
0x41: {  	_ =	shalt  }
0x42: {  	_ =	shalt  }
0x43: {  	_ =	shalt  }
0x44: {  	_ =	shalt  }
0x45: {  	_ =	shalt  }
0x46: {  	_ =	shalt  }
0x47: {  	_ =	shalt  }
0x48: {  	_ =	shalt  }
0x49: {  	_ =	shalt  }
0x4a: {  	_ =	shalt  }
0x4b: {  	_ =	shalt  }
0x4c: {  	_ =	shalt  }
0x4d: {  	_ =	shalt  }
0x4e: {  	_ =	shalt  }
0x4f: {  	_ =	shalt  }
0x50: {  	_ =	shalt  }
0x51: {  	_ =	shalt  }
0x52: {  	_ =	shalt  }
0x53: {  	_ =	shalt  }
0x54: {  	_ =	shalt  }
0x55: {  	_ =	shalt  }
0x56: {  	_ =	shalt  }
0x57: {  	_ =	shalt  }
0x58: {  	_ =	shalt  }
0x59: {  	_ =	shalt  }
0x5a: {  	_ =	shalt  }
0x5b: {  	_ =	shalt  }
0x5c: {  	_ =	shalt  }
0x5d: {  	_ =	shalt  }
0x5e: {  	_ =	shalt  }
0x5f: {  	_ =	shalt  }
0x60: {  	_ =	shalt  }
0x61: {  	_ =	shalt  }
0x62: {  	_ =	shalt  }
0x63: {  	_ =	shalt  }
0x64: {  	_ =	shalt  }
0x65: {  	_ =	shalt  }
0x66: {  	_ =	shalt  }
0x67: {  	_ =	shalt  }
0x68: {  	_ =	shalt  }
0x69: {  	_ =	shalt  }
0x6a: {  	_ =	shalt  }
0x6b: {  	_ =	shalt  }
0x6c: {  	_ =	shalt  }
0x6d: {  	_ =	shalt  }
0x6e: {  	_ =	shalt  }
0x6f: {  	_ =	shalt  }
0x70: {  	_ =	shalt  }
0x71: {  	_ =	shalt  }
0x72: {  	_ =	shalt  }
0x73: {  	_ =	shalt  }
0x74: {  	_ =	shalt  }
0x75: {  	_ =	shalt  }
0x76: {  	_ =	shalt  }
0x77: {  	_ =	shalt  }
0x78: {  	_ =	shalt  }
0x79: {  	_ =	shalt  }
0x7a: {  	_ =	shalt  }
0x7b: {  	_ =	shalt  }
0x7c: {  	_ =	shalt  }
0x7d: {  	_ =	shalt  }
0x7e: {  	_ =	shalt  }
0x7f: {  	_ =	shalt  }
0x80: {  	_ =	shalt  }
0x81: {  	_ =	shalt  }
0x82: {  	_ =	shalt  }
0x83: {  	_ =	shalt  }
0x84: {  	_ =	shalt  }
0x85: {  	_ =	shalt  }
0x86: {  	_ =	shalt  }
0x87: {  	_ =	shalt  }
.Lfunc_end0:
.L_simem_size_0:
called_computation_lowered:
.L_overlay_start_0:
0x88: {  	s2 =	sld [smem:$0x3FD9]  }
0x89: {  	s3 =	sld [smem:$0x3FFE];
	_ =	sdelay $0x1  }
0x8a: {  	s1 =	srdreg.scid  }
0x8b: {  	s0 =	sand.u32 $0x1, s1  }
0x8c: {  	s16 =	sshll.u32 s0, $0xA;
	s2 =	sadd.s32 s3, s2  }
0x8d: {  	s2 =	sadd.s32 s2, s16  }
0x8e: {  	[smem:$0x3FC6] =	sst s2  }
0x8f: {  	_ = 	snop  }
0x90: {  	(tm) =	ssettm $0x1  }
0x91: {  	s17 =	sld [smem:$0x3FFB];
	_ =	sdelay $0x3  }
0x92: {  	_ =	strace s17  }
0x93: {  	s2 =	sld [smem:$0x3FFC];
	_ =	sdelay $0x3  }
0x94: {  	_ =	strace s2  }
0x95: {  	s2 =	sld [smem:$0x3FFD];
	_ =	sdelay $0x3  }
0x96: {  	_ =	strace s2  }
0x97: {  	_ =	strace $0x8FFFFFFF  }
0x98: {  	s18 =	sld [smem:$0x3FDB];
	_ =	sdelay $0x1  }
0x99: {  	s19 =	simm.s32 $_scs_section_size  }
0x9a: {  	s4 =	simm.s32 $_size__tile_overlayer_lowered;
	s5 =	simm.s32 $_tile_overlayer_lowered  }
0x9b: {  	s22 =	simm.s32 $0x1BFF;
	s21 =	sshll.u32 s5, $0x1;
	s2 =	sadd.s32 s19, s18  }
0x9c: {  	s6 =	simm.s32 $0x0;
	s20 =	sshll.u32 s4, $0x1;
	s4 =	sadd.s32 s21, s2  }
0x9d: {  	[timem:s6], [sflag:s22] =	dma.local [hbm:s4], s20  }
0x9e: {  	_ =	swait.ge [sflag:s22], s20  }
0x9f: {  	s3 =	ssub.s32 $0x0, s20;
	[sflag:s22] =	ssyncset.done $0x0  }
0xa0: {  	[sflag:s22] =	ssyncadd.s32 s3;
	_ =	sdelay $0x1  }
0xa1: {  	s23 =	simm.s32 $0x1B8B  }
0xa2: {  	_ =	swait.ge [sflag:s23], $0x1  }
0xa3: {  	[sflag:s23] =	ssyncset.done $0x0  }
0xa4: {  	s25 =	simm.s32 $0x1B8E;
	s24 =	sld [smem:$0x3FFE];
	[sflag:s23] =	ssyncadd.s32 $0xFFFFFFFF  }
0xa5: {  	s26 =	simm.s32 $execute0_lowered;
	[smem:$0x3FD2] =	sst s25  }
0xa6: {  	s4 =	sshll.u32 s26, $0x1;
	_ =	strace $0x80000046;
	[dreg:$0x1] =	wrdreg $0xFFFFFFFF  }
0xa7: {  	s28 =	simm.s32 $_size_execute0_lowered;
	s2 =	sadd.s32 s2, s4;
	[dreg:$0x0] =	wrdreg $0x0  }
0xa8: {  	s4 =	sshll.u32 s28, $0x1;
	[dreg:$0x2] =	wrdreg s2  }
0xa9: {  	[dreg:$0x3] =	wrdreg s4  }
0xaa: {  	[dreg:$0x4] =	wrdreg $0xC0  }
0xab: {  	_ =	task [dreg:s6], $0x5FFFF  }
0xac: {  	[dreg:$0x1] =	wrdreg $0xFFFFFFFF  }
0xad: {  	[dreg:$0x0] =	wrdreg $0x60  }
0xae: {  	[dreg:$0x2] =	wrdreg s24  }
0xaf: {  	[dreg:$0x3] =	wrdreg $0x9  }
0xb0: {  	_ =	task.clear_ibuf [dreg:s6], $0x4FFFF;
	_ =	strace $0x90000046  }
0xb1: {  	s29 =	simm.s32 $0x9;
	_ =	strace $0x80000048  }
0xb2: {  	_ =	swait.ge [sflag:s29], $0x1  }
0xb3: {  	[sflag:s29] =	ssyncadd.s32 $0xFFFFFFFF  }
0xb4: {  	_ =	strace $0x90000048  }
0xb5: {  	_ =	sfence  }
0xb6: {  	s30 =	sld [smem:$0x0];
	_ =	sdelay $0x2  }
0xb7: {  	s31 =	sshll.u32 s1, $0xD;
	s1 =	sshrl.u32 s1, $0x2  }
0xb8: {  	s3 =	sand.u32 $0x4000, s31;
	s1 =	sadd.s32 s1, s30  }
0xb9: {  	s0 =	sor.u32 s3, s0;
	s1 =	sshll.u32 s1, $0x11  }
0xba: {  	s0 =	sor.u32 s1, s0  }
0xbb: {  	s0 =	sadd.s32 $0x8F2B, s0  }
0xbc: {  	[sflag:s0] =	ssyncadd.remote.s32 $0x1  }
0xbd: {  	_ =	sfence.sel $0xFFFF  }
0xbe: {  	[dreg:$0x0] =	wrdreg $0xFFFFFFFF;
	(pc) =	sbr.abs _section_cstart, $3  }
0xbf: {  	[dreg:$0x1] =	wrdreg $0xFFFFFFFF  }
0xc0: {  	_ =	task.clear_ibuf [dreg:s6], $0x2FFFF;
	_ =	strace $0x9FFFFFFF  }
0xc1: {  	(tm) =	ssettm $0x7FFFFFFF  }
tec
execute0_lowered:
.L_overlay_start_1:
0x0: {  	(tag) =	ssettag $0x1  }
0x1: {  	s1 =	srdreg.scid  }
0x2: {  	s0 =	stileid.u32;
	s12 =	sand.u32 $0x1, s1  }
0x3: {  	s30 =	sshll.u32 s0, $0xA;
	s2 =	sshll.u32 s12, $0x9  }
0x4: {  	s14 =	rddreg [dreg:$0x0];
	s15 =	sor.u32 s2, s30  }
0x5: {  	s1 =	rddreg [dreg:$0x1];
	s2 =	simm.s32 $0x0;
	s3 =	sshrl.u32 s15, $0x3  }
0x6: {  	[smem:$0x7FF] =	sst s2;
	s3 =	sadd.s32 s3, s14  }
0x7: {  	_ =	strace $0x80000047;
	s4 =	sadd.s32 $0x600, s3;
	s3 =	simm.s32 $0x2  }
0x8: {  	[tilespmem:s2], [sflag:$0x2] =	stream.linear.gather [hbm4b:s4+s2], $0x200, $0x38;
	[tilespmem:$0x10200] =	vst v63  }
0x9: {  	_ =	swait.ge [sflag:s3], $0x200  }
0xa: {  	s6 =	simm.s32 $0x80;
	s7 =	simm.s32 $0x200;
	[sflag:s3] =	ssyncset.done $0x0  }
0xb: {  	s8 =	simm.s32 $0x1;
	s5 =	sadd.s32 $0xE00, s14;
	[sflag:s3] =	ssyncadd.s32 $0xFFFFFE00  }
0xc: {  	[tilespmem:s7], [sflag:$0x1] =	stream.indirect.gather [hbm4b:s5+s6], $0x80, s2, s6, $0xb8;
	[tilespmem:$0x10200] =	vst v63  }
0xd: {  	_ =	swait.ge [sflag:s8], $0x4000  }
0xe: {  	[sflag:s8] =	ssyncset.done $0x0  }
0xf: {  	s9 =	simm.s32 $0x4200;
	[sflag:s8] =	ssyncadd.s32 $0xFFFFC000  }
0x10: {  	[tilespmem:s9], [sflag:$0x1] =	stream.indirect.gather [hbm4b:s5+s6], $0x80, s6, s6, $0xb8;
	[tilespmem:$0x10200] =	vst v63  }
0x11: {  	_ =	swait.ge [sflag:s8], $0x4000  }
0x12: {  	s10 =	simm.s32 $0x100;
	s11 =	simm.s32 $0x8200;
	[sflag:s8] =	ssyncset.done $0x0  }
0x13: {  	s13 =	simm.s32 $0xC200;
	s16 =	ssub.s32 $0x2, s12;
	[sflag:s8] =	ssyncadd.s32 $0xFFFFC000  }
0x14: {  	[tilespmem:s11], [sflag:$0x1] =	stream.indirect.gather [hbm4b:s5+s6], $0x80, s10, s6, $0xb8;
	[tilespmem:$0x10200] =	vst v63  }
0x15: {  	s12 =	simm.s32 $0x180;
	s17 =	sshrl.u32 s16, $0x1;
	_ =	swait.ge [sflag:s8], $0x4000  }
0x16: {  	s15 =	sshll.u32 s15, $0x4;
	s31 =	ssub.s32 s16, s17;
	[sflag:s8] =	ssyncset.done $0x0  }
0x17: {  	s14 =	sadd.s32 s15, s14;
	s15 =	smax.u32 s31, $0x1;
	[sflag:s8] =	ssyncadd.s32 $0xFFFFC000  }
0x18: {  	[tilespmem:s13], [sflag:$0x1] =	stream.indirect.gather [hbm4b:s5+s6], $0x80, s12, s6, $0xb8;
	[tilespmem:$0x10200] =	vst v63  }
0x19: {  	p0 =	sne.s32 s15, $0x1;
	_ =	swait.ge [sflag:s8], $0x4000  }
.Ltmp0:
0x1a: {  	[sflag:s8] =	ssyncset.done $0x0;
	(pc) =	sbr.rel @!p0 .LBB2_2-.Ltmp0, $4  }
0x1b: {  	s14 =	sadd.s32 $0x4E00, s14;
	[sflag:s8] =	ssyncadd.s32 $0xFFFFC000  }
0x1c: {  	[hbm4b:s14+s2] =	stream.linear.scatter [tilespmem:s7], [sflag:$0x2], $0x10000, $0x38;
	[tilespmem:$0x10200] =	vst v63  }
0x1d: {  	_ =	swait.ge [sflag:s3], $0x10000  }
0x1e: {  	s15 =	sadd.s32 $0xFFFFFFFF, s15;
	[sflag:s3] =	ssyncset.done $0x0  }
.LBB2_1:
0x1f: {  	p0 =	sne.s32 s15, $0x1;
	s15 =	sadd.s32 $0xFFFFFFFF, s15;
	[sflag:s3] =	ssyncadd.s32 $0xFFFF0000  }
0x20: {  	[tilespmem:s2], [sflag:$0x2] =	stream.linear.gather [hbm4b:s4+s2], $0x200, $0x38;
	[tilespmem:$0x10200] =	vst v63  }
0x21: {  	_ =	swait.ge [sflag:s3], $0x200  }
0x22: {  	[sflag:s3] =	ssyncset.done $0x0  }
0x23: {  	[sflag:s3] =	ssyncadd.s32 $0xFFFFFE00  }
0x24: {  	[tilespmem:s7], [sflag:$0x1] =	stream.indirect.gather [hbm4b:s5+s6], $0x80, s2, s6, $0xb8;
	[tilespmem:$0x10200] =	vst v63  }
0x25: {  	_ =	swait.ge [sflag:s8], $0x4000  }
0x26: {  	[sflag:s8] =	ssyncset.done $0x0  }
0x27: {  	[sflag:s8] =	ssyncadd.s32 $0xFFFFC000  }
0x28: {  	[tilespmem:s9], [sflag:$0x1] =	stream.indirect.gather [hbm4b:s5+s6], $0x80, s6, s6, $0xb8;
	[tilespmem:$0x10200] =	vst v63  }
0x29: {  	_ =	swait.ge [sflag:s8], $0x4000  }
0x2a: {  	[sflag:s8] =	ssyncset.done $0x0  }
0x2b: {  	[sflag:s8] =	ssyncadd.s32 $0xFFFFC000  }
0x2c: {  	[tilespmem:s11], [sflag:$0x1] =	stream.indirect.gather [hbm4b:s5+s6], $0x80, s10, s6, $0xb8;
	[tilespmem:$0x10200] =	vst v63  }
0x2d: {  	_ =	swait.ge [sflag:s8], $0x4000  }
0x2e: {  	[sflag:s8] =	ssyncset.done $0x0  }
0x2f: {  	[sflag:s8] =	ssyncadd.s32 $0xFFFFC000  }
0x30: {  	[tilespmem:s13], [sflag:$0x1] =	stream.indirect.gather [hbm4b:s5+s6], $0x80, s12, s6, $0xb8;
	[tilespmem:$0x10200] =	vst v63  }
0x31: {  	_ =	swait.ge [sflag:s8], $0x4000  }
.Ltmp1:
0x32: {  	[sflag:s8] =	ssyncset.done $0x0;
	(pc) =	sbr.rel @p0 .LBB2_1-.Ltmp1, $4  }
0x33: {  	[sflag:s8] =	ssyncadd.s32 $0xFFFFC000  }
0x34: {  	[hbm4b:s14+s2] =	stream.linear.scatter [tilespmem:s7], [sflag:$0x2], $0x10000, $0x38;
	[tilespmem:$0x10200] =	vst v63  }
0x35: {  	_ =	swait.ge [sflag:s3], $0x10000  }
0x36: {  	[sflag:s3] =	ssyncset.done $0x0  }
.LBB2_2:
0x37: {  	[sflag:s3] =	ssyncadd.s32 $0xFFFF0000  }
0x38: {  	_ =	sfence.sel $0x180000  }
0x39: {  	[bflag:$0x0] =	sbarrier.arrive $0xFFFF  }
0x3a: {  	p0 =	sne.s32 s0, $0x0;
	_ =	strace $0x90000047  }
0x3b: {  	s0 =	sadd.s32 @!p0 $0x100000, s1;
	[bflag:$0x2] =	sbarrier.arrive $0xFFFF  }
0x3c: {  	[sflag:s0] =	ssyncadd.tile.s32 @!p0 $0x1;
	_ =	shalt  }
.Lfunc_end2:
_tile_overlayer_lowered:
.L_overlay_start_2:
0x3d: {  	(tag) =	ssettag $0x2  }
0x3e: {  	s0 =	rddreg [dreg:$0x0];
	s2 =	stileid.u32  }
0x3f: {  	s1 =	rddreg [dreg:$0x1];
	p0 =	sne.s32 s2, $0x0  }
0x40: {  	s3 =	rddreg [dreg:$0x2];
	[bflag:$0x3] =	sbarrier.arrive $0xFFFF;
	s2 =	simm.s32 @!p0 $0x1C02  }
0x41: {  	[timem:s3], [sflag:s2] =	dma.local @!p0 [hbm:s0], s1  }
0x42: {  	s0 =	simm.s32 @!p0 $0x2  }
0x43: {  	_ =	swait.ge @!p0 [sflag:s0], s1  }
0x44: {  	s1 =	ssub.s32 @!p0 $0x0, s1;
	[sflag:s0] =	ssyncset.done @!p0 $0x0  }
0x45: {  	[sflag:s0] =	ssyncadd.s32 @!p0 s1  }
0x46: {  	[bflag:$0x3] =	sbarrier.arrive $0xFFFF  }
0x47: {  	_ =	shalt  }

// kernel: kernel.8.cloned.1.call-start
scs
__scs_entry_jumppad:
0x0: {  	(pc) =	sbr.rel $0x88, $3  }
0x1: {  	(tag) =	ssettag $0x0;
	lr =	simm.s32 $0x1  }
0x2: {  	[smem:$0x3F9F] =	sst lr;
	_ =	strace $0xD0000000  }
0x3: {  	_ = 	snop  }
0x4: {  	_ = 	snop  }
0x5: {  	_ = 	snop  }
0x6: {  	_ = 	snop  }
0x7: {  	_ = 	snop  }
__scs_overlays_trampoline_lowered:
0x8: {  	[smem:$0x3FAE] =	sst s0  }
0x9: {  	[smem:$0x3FAF] =	sst s1  }
0xa: {  	[smem:$0x3FB0] =	sst s2  }
0xb: {  	[smem:$0x3FB1] =	sst s3  }
0xc: {  	[smem:$0x3FB2] =	sst s4  }
0xd: {  	[smem:$0x3FB3] =	sst s5  }
0xe: {  	[smem:$0x3FB4] =	sst s6  }
0xf: {  	[smem:$0x3FB5] =	sst s7  }
0x10: {  	[smem:$0x3FB6] =	sst s8  }
0x11: {  	[smem:$0x3FB7] =	sst s9;
	s0 =	simm.s32 @!p0 $0x0  }
0x12: {  	s1 =	sld [smem:$0x3F9D];
	s0 =	simm.s32 @p0 $0x1  }
0x13: {  	[smem:$0x3FB8] =	sst s0;
	s0 =	simm.s32 @!p1 $0x0  }
0x14: {  	s2 =	sld [smem:$0x3F9C];
	s0 =	simm.s32 @p1 $0x1  }
0x15: {  	[smem:$0x3FB9] =	sst s0;
	s0 =	simm.s32 @!p2 $0x0  }
0x16: {  	s3 =	sld [smem:$0x3FDB];
	s0 =	simm.s32 @p2 $0x1  }
0x17: {  	s4 =	simm.s32 $0x1BF5;
	[smem:$0x3FBB] =	sst s0  }
0x18: {  	s0 =	sld [smem:$0x3F9E];
	_ =	swait.ge [sflag:s4], $0x0  }
0x19: {  	s7 =	sld [smem:$0x3F9F]  }
0x1a: {  	s8 =	sadd.s32 $0xFFFFE003, lr  }
0x1b: {  	s9 =	sadd.s32 $0xFFFFFEF7, lr;
	s5 =	simm.s32 $0xFFFFFFFF;
	p2 =	slt.u32 s8, $0xFFFFF086  }
0x1c: {  	p1 =	slt.u32 s9, $0xF7A;
	s5 =	simm.s32 @!p2 $0x0  }
0x1d: {  	s5 =	simm.s32 @p1 $0x1;
	p0 =	seq.s32 s7, s2  }
0x1e: {  	s7 =	smul.u32 @!p0 $0xF7A, s2;
	p2 =	seq.s32 @!p0 s5, $0x0  }
0x1f: {  	s9 =	smul.u32 $0xF7A, s1;
	s8 =	simm.s32 @!p0 $0x1BF5;
	p2 =	por !p2, p0  }
0x20: {  	[sflag:s8] =	ssyncset.s32 @!p0 $0xFFFFF086;
	s6 =	sadd.s32 @!p0 s3, s7;
	s7 =	simm.s32 @!p0 $0x108  }
0x21: {  	s3 =	sadd.s32 s3, s9;
	s6 =	sadd.s32 @!p0 $0x88, s6;
	s7 =	simm.s32 @p2 $0x1082  }
0x22: {  	[simem:s7], [sflag:s8] =	dma.local @!p0 [hbm:s6], $0xF7A  }
0x23: {  	s9 =	sor.u32 $0xD0000000, s2;
	s6 =	simm.s32 $0x108;
	_ =	swait.ge @!p0 [sflag:s8], $0x0  }
0x24: {  	s3 =	sadd.s32 $0x88, s3;
	s6 =	simm.s32 @!p1 $0x1082;
	[sflag:s4] =	ssyncset.s32 $0xFFFFF086  }
0x25: {  	[simem:s6], [sflag:s4] =	dma.local [hbm:s3], $0xF7A  }
0x26: {  	[smem:$0x3F9F] =	sst s1;
	(tag) =	ssettag s2;
	_ =	strace s9  }
0x27: {  	s1 =	sld [smem:$0x3FAF]  }
0x28: {  	s2 =	sld [smem:$0x3FB0]  }
0x29: {  	s4 =	sld [smem:$0x3FB2]  }
0x2a: {  	p0 =	seq.s32 s5, $0x0;
	s5 =	sld [smem:$0x3FB3]  }
0x2b: {  	s6 =	sld [smem:$0x3FB4]  }
0x2c: {  	s7 =	sld [smem:$0x3FB5]  }
0x2d: {  	s3 =	simm.s32 $0x108;
	s8 =	sld [smem:$0x3FB6]  }
0x2e: {  	s3 =	simm.s32 @!p0 $0x1082;
	s9 =	sld [smem:$0x3FB7]  }
0x2f: {  	lr =	sadd.s32 s0, s3;
	s0 =	sld [smem:$0x3FAE]  }
0x30: {  	s3 =	sld [smem:$0x3FB1]  }
0x31: {  	[smem:$0x3FBA] =	sst s10  }
0x32: {  	s10 =	sld [smem:$0x3FB8];
	_ =	sdelay $0x3  }
0x33: {  	p0 =	seq.s32 s10, $0x1;
	s10 =	sld [smem:$0x3FBA];
	_ =	sdelay $0x3  }
0x34: {  	[smem:$0x3FBA] =	sst s10  }
0x35: {  	s10 =	sld [smem:$0x3FB9];
	_ =	sdelay $0x3  }
0x36: {  	p1 =	seq.s32 s10, $0x1;
	s10 =	sld [smem:$0x3FBA];
	_ =	sdelay $0x3  }
0x37: {  	[smem:$0x3FBA] =	sst s10  }
0x38: {  	s10 =	sld [smem:$0x3FBB]  }
0x39: {  	_ = 	snop;
	(pc) =	sbr.ind lr, $3  }
0x3a: {  	_ = 	snop  }
0x3b: {  	_ = 	snop  }
0x3c: {  	p2 =	seq.s32 s10, $0x1;
	s10 =	sld [smem:$0x3FBA]  }
0x3d: {  	_ =	shalt  }
0x3e: {  	_ =	shalt  }
0x3f: {  	_ =	shalt  }
0x40: {  	_ =	shalt  }
0x41: {  	_ =	shalt  }
0x42: {  	_ =	shalt  }
0x43: {  	_ =	shalt  }
0x44: {  	_ =	shalt  }
0x45: {  	_ =	shalt  }
0x46: {  	_ =	shalt  }
0x47: {  	_ =	shalt  }
0x48: {  	_ =	shalt  }
0x49: {  	_ =	shalt  }
0x4a: {  	_ =	shalt  }
0x4b: {  	_ =	shalt  }
0x4c: {  	_ =	shalt  }
0x4d: {  	_ =	shalt  }
0x4e: {  	_ =	shalt  }
0x4f: {  	_ =	shalt  }
0x50: {  	_ =	shalt  }
0x51: {  	_ =	shalt  }
0x52: {  	_ =	shalt  }
0x53: {  	_ =	shalt  }
0x54: {  	_ =	shalt  }
0x55: {  	_ =	shalt  }
0x56: {  	_ =	shalt  }
0x57: {  	_ =	shalt  }
0x58: {  	_ =	shalt  }
0x59: {  	_ =	shalt  }
0x5a: {  	_ =	shalt  }
0x5b: {  	_ =	shalt  }
0x5c: {  	_ =	shalt  }
0x5d: {  	_ =	shalt  }
0x5e: {  	_ =	shalt  }
0x5f: {  	_ =	shalt  }
0x60: {  	_ =	shalt  }
0x61: {  	_ =	shalt  }
0x62: {  	_ =	shalt  }
0x63: {  	_ =	shalt  }
0x64: {  	_ =	shalt  }
0x65: {  	_ =	shalt  }
0x66: {  	_ =	shalt  }
0x67: {  	_ =	shalt  }
0x68: {  	_ =	shalt  }
0x69: {  	_ =	shalt  }
0x6a: {  	_ =	shalt  }
0x6b: {  	_ =	shalt  }
0x6c: {  	_ =	shalt  }
0x6d: {  	_ =	shalt  }
0x6e: {  	_ =	shalt  }
0x6f: {  	_ =	shalt  }
0x70: {  	_ =	shalt  }
0x71: {  	_ =	shalt  }
0x72: {  	_ =	shalt  }
0x73: {  	_ =	shalt  }
0x74: {  	_ =	shalt  }
0x75: {  	_ =	shalt  }
0x76: {  	_ =	shalt  }
0x77: {  	_ =	shalt  }
0x78: {  	_ =	shalt  }
0x79: {  	_ =	shalt  }
0x7a: {  	_ =	shalt  }
0x7b: {  	_ =	shalt  }
0x7c: {  	_ =	shalt  }
0x7d: {  	_ =	shalt  }
0x7e: {  	_ =	shalt  }
0x7f: {  	_ =	shalt  }
0x80: {  	_ =	shalt  }
0x81: {  	_ =	shalt  }
0x82: {  	_ =	shalt  }
0x83: {  	_ =	shalt  }
0x84: {  	_ =	shalt  }
0x85: {  	_ =	shalt  }
0x86: {  	_ =	shalt  }
0x87: {  	_ =	shalt  }
.Lfunc_end0:
.L_simem_size_0:
called_computation.1_lowered:
.L_overlay_start_0:
0x88: {  	s2 =	sld [smem:$0x3FD9]  }
0x89: {  	s3 =	sld [smem:$0x3FFE];
	_ =	sdelay $0x1  }
0x8a: {  	s1 =	srdreg.scid  }
0x8b: {  	s0 =	sand.u32 $0x1, s1  }
0x8c: {  	s15 =	sshll.u32 s0, $0xA;
	s2 =	sadd.s32 s3, s2  }
0x8d: {  	s2 =	sadd.s32 s2, s15  }
0x8e: {  	[smem:$0x3FC6] =	sst s2  }
0x8f: {  	_ = 	snop  }
0x90: {  	s2 =	sld [smem:$0x3FD0];
	_ =	sdelay $0x2  }
0x91: {  	s16 =	simm.s32 $0xB;
	s4 =	simm.s32 $0x10  }
0x92: {  	[smem:s4], [sflag:s16] =	dma.local [hbm:s2], $0x1  }
0x93: {  	_ =	swait.eq [sflag:s16], $0x1  }
0x94: {  	[sflag:s16] =	ssyncset.done $0x0  }
0x95: {  	[sflag:s16] =	ssyncadd.s32 $0xFFFFFFFF  }
0x96: {  	s17 =	sld [smem:$0x10];
	(tm) =	ssettm $0x1  }
0x97: {  	s18 =	sld [smem:$0x3FFB];
	_ =	sdelay $0x3  }
0x98: {  	_ =	strace s18  }
0x99: {  	s2 =	sld [smem:$0x3FFC];
	_ =	sdelay $0x3  }
0x9a: {  	_ =	strace s2  }
0x9b: {  	s2 =	sld [smem:$0x3FFD];
	_ =	sdelay $0x3  }
0x9c: {  	_ =	strace s2  }
0x9d: {  	_ =	strace $0x8FFFFFFF  }
0x9e: {  	s19 =	sld [smem:$0x3FDB];
	_ =	sdelay $0x1  }
0x9f: {  	s20 =	simm.s32 $_scs_section_size  }
0xa0: {  	s5 =	simm.s32 $_size__tile_overlayer_lowered;
	s6 =	simm.s32 $_tile_overlayer_lowered  }
0xa1: {  	s7 =	simm.s32 $0x1BFF;
	s21 =	sshll.u32 s6, $0x1;
	s4 =	sadd.s32 s20, s19  }
0xa2: {  	s22 =	simm.s32 $0x0;
	s5 =	sshll.u32 s5, $0x1;
	s6 =	sadd.s32 s21, s4  }
0xa3: {  	[timem:s22], [sflag:s7] =	dma.local [hbm:s6], s5  }
0xa4: {  	_ =	swait.ge [sflag:s7], s5  }
0xa5: {  	s5 =	ssub.s32 $0x0, s5;
	[sflag:s7] =	ssyncset.done $0x0  }
0xa6: {  	[sflag:s7] =	ssyncadd.s32 s5;
	_ =	sdelay $0x1  }
0xa7: {  	s23 =	simm.s32 $0x1B8B  }
0xa8: {  	_ =	swait.ge [sflag:s23], $0x1  }
0xa9: {  	[sflag:s23] =	ssyncset.done $0x0  }
0xaa: {  	[sflag:s23] =	ssyncadd.s32 $0xFFFFFFFF  }
0xab: {  	s5 =	sld [smem:$0x0]  }
0xac: {  	s6 =	sand.u32 $0xFFFFFFFE, s1  }
0xad: {  	p0 =	sne.s32 s1, s6  }
0xae: {  	s6 =	sshll.u32 @p0 s6, $0xE  }
0xaf: {  	s6 =	sadd.s32 @p0 $0x11B8D, s6;
	s7 =	sshll.u32 @p0 s5, $0x11  }
0xb0: {  	s6 =	sor.u32 @p0 s7, s6  }
0xb1: {  	[sflag:s6] =	ssyncadd.remote.s32 @p0 $0x1;
	_ =	sdelay $0x1  }
0xb2: {  	s6 =	simm.s32 @p0 $0x1B8D  }
0xb3: {  	_ =	swait.eq @p0 [sflag:s6], $0x1  }
0xb4: {  	[sflag:s6] =	ssyncadd.s32 @p0 $0xFFFFFFFF  }
0xb5: {  	s7 =	sshll.u32 @!p0 s1, $0xE  }
0xb6: {  	s7 =	sor.u32 @!p0 $0x4000, s7;
	s6 =	simm.s32 @!p0 $0x1B8D  }
0xb7: {  	s5 =	sshll.u32 @!p0 s5, $0x11;
	s7 =	sadd.s32 @!p0 $0x11B8D, s7;
	_ =	swait.eq @!p0 [sflag:s6], $0x1  }
0xb8: {  	s5 =	sor.u32 @!p0 s5, s7;
	[sflag:s6] =	ssyncadd.s32 @!p0 $0xFFFFFFFF  }
0xb9: {  	s25 =	simm.s32 $0x1B8E;
	s24 =	sld [smem:$0x3FFE];
	[sflag:s5] =	ssyncadd.remote.s32 @!p0 $0x1  }
0xba: {  	s26 =	simm.s32 $execute0_lowered;
	[smem:$0x3FD2] =	sst s25  }
0xbb: {  	s6 =	sshll.u32 s26, $0x1;
	_ =	strace $0x80000049;
	[dreg:$0x1] =	wrdreg $0xFFFFFFFF  }
0xbc: {  	s28 =	simm.s32 $_size_execute0_lowered;
	s4 =	sadd.s32 s4, s6;
	[dreg:$0x0] =	wrdreg $0x0  }
0xbd: {  	s6 =	sshll.u32 s28, $0x1;
	[dreg:$0x2] =	wrdreg s4  }
0xbe: {  	[dreg:$0x3] =	wrdreg s6  }
0xbf: {  	[dreg:$0x4] =	wrdreg $0xC0  }
0xc0: {  	_ =	task [dreg:s22], $0x5FFFF  }
0xc1: {  	[dreg:$0x1] =	wrdreg $0xFFFFFFFF  }
0xc2: {  	[dreg:$0x0] =	wrdreg $0x60  }
0xc3: {  	[dreg:$0x2] =	wrdreg s24  }
0xc4: {  	[dreg:$0x3] =	wrdreg s17  }
0xc5: {  	[dreg:$0x4] =	wrdreg $0xA  }
0xc6: {  	_ =	task.clear_ibuf [dreg:s22], $0x5FFFF;
	_ =	strace $0x90000049  }
0xc7: {  	s29 =	simm.s32 $0xA;
	_ =	strace $0x8000004B  }
0xc8: {  	_ =	swait.ge [sflag:s29], $0x1  }
0xc9: {  	[sflag:s29] =	ssyncadd.s32 $0xFFFFFFFF  }
0xca: {  	_ =	strace $0x9000004B  }
0xcb: {  	_ =	sfence  }
0xcc: {  	s30 =	sld [smem:$0x0];
	_ =	sdelay $0x2  }
0xcd: {  	s31 =	sshll.u32 s1, $0xD;
	s1 =	sshrl.u32 s1, $0x2  }
0xce: {  	s4 =	sand.u32 $0x4000, s31;
	s1 =	sadd.s32 s1, s30  }
0xcf: {  	s0 =	sor.u32 s4, s0;
	s1 =	sshll.u32 s1, $0x11  }
0xd0: {  	s0 =	sor.u32 s1, s0  }
0xd1: {  	s0 =	sadd.s32 $0x8F2B, s0  }
0xd2: {  	[sflag:s0] =	ssyncadd.remote.s32 $0x1  }
0xd3: {  	_ =	sfence.sel $0xFFFF  }
0xd4: {  	[dreg:$0x0] =	wrdreg $0xFFFFFFFF;
	(pc) =	sbr.abs _section_cstart, $3  }
0xd5: {  	[dreg:$0x1] =	wrdreg $0xFFFFFFFF  }
0xd6: {  	_ =	task.clear_ibuf [dreg:s22], $0x2FFFF;
	_ =	strace $0x9FFFFFFF  }
0xd7: {  	(tm) =	ssettm $0x7FFFFFFF  }
tec
execute0_lowered:
.L_overlay_start_1:
0x0: {  	(tag) =	ssettag $0x1  }
0x1: {  	s1 =	srdreg.scid  }
0x2: {  	s0 =	stileid.u32;
	s12 =	sand.u32 $0x1, s1  }
0x3: {  	s5 =	rddreg [dreg:$0x0];
	s30 =	sshll.u32 s0, $0xA;
	s2 =	sshll.u32 s12, $0x9  }
0x4: {  	s14 =	rddreg [dreg:$0x1];
	s15 =	sor.u32 s2, s30  }
0x5: {  	s1 =	rddreg [dreg:$0x2];
	s2 =	simm.s32 $0x0;
	s3 =	sshrl.u32 s15, $0x3  }
0x6: {  	[smem:$0x7FF] =	sst s2;
	s3 =	sadd.s32 s3, s5  }
0x7: {  	_ =	strace $0x8000004A;
	s4 =	sadd.s32 $0x44E00, s3;
	s3 =	simm.s32 $0x2  }
0x8: {  	[tilespmem:s2], [sflag:$0x2] =	stream.linear.gather [hbm4b:s4+s2], $0x200, $0x38;
	[tilespmem:$0x10200] =	vst v63  }
0x9: {  	_ =	swait.ge [sflag:s3], $0x200  }
0xa: {  	s6 =	simm.s32 $0x80;
	s7 =	simm.s32 $0x200;
	[sflag:s3] =	ssyncset.done $0x0  }
0xb: {  	s8 =	simm.s32 $0x1;
	s5 =	sadd.s32 $0xE00, s5;
	[sflag:s3] =	ssyncadd.s32 $0xFFFFFE00  }
0xc: {  	[tilespmem:s7], [sflag:$0x1] =	stream.indirect.gather [hbm4b:s5+s6], $0x80, s2, s6, $0xb8;
	[tilespmem:$0x10200] =	vst v63  }
0xd: {  	_ =	swait.ge [sflag:s8], $0x4000  }
0xe: {  	[sflag:s8] =	ssyncset.done $0x0  }
0xf: {  	s9 =	simm.s32 $0x4200;
	[sflag:s8] =	ssyncadd.s32 $0xFFFFC000  }
0x10: {  	[tilespmem:s9], [sflag:$0x1] =	stream.indirect.gather [hbm4b:s5+s6], $0x80, s6, s6, $0xb8;
	[tilespmem:$0x10200] =	vst v63  }
0x11: {  	_ =	swait.ge [sflag:s8], $0x4000  }
0x12: {  	s10 =	simm.s32 $0x100;
	[sflag:s8] =	ssyncset.done $0x0  }
0x13: {  	s11 =	simm.s32 $0x8200;
	s16 =	ssub.s32 $0x2, s12;
	[sflag:s8] =	ssyncadd.s32 $0xFFFFC000  }
0x14: {  	[tilespmem:s11], [sflag:$0x1] =	stream.indirect.gather [hbm4b:s5+s6], $0x80, s10, s6, $0xb8;
	[tilespmem:$0x10200] =	vst v63  }
0x15: {  	s17 =	sshrl.u32 s16, $0x1;
	_ =	swait.ge [sflag:s8], $0x4000  }
0x16: {  	s13 =	simm.s32 $0xC200;
	s16 =	ssub.s32 s16, s17;
	[sflag:s8] =	ssyncset.done $0x0  }
0x17: {  	s12 =	simm.s32 $0x180;
	s31 =	smax.u32 s16, $0x1;
	[sflag:s8] =	ssyncadd.s32 $0xFFFFC000  }
0x18: {  	[tilespmem:s13], [sflag:$0x1] =	stream.indirect.gather [hbm4b:s5+s6], $0x80, s12, s6, $0xb8;
	[tilespmem:$0x10200] =	vst v63  }
0x19: {  	p0 =	sne.s32 s31, $0x1;
	_ =	swait.ge [sflag:s8], $0x4000  }
.Ltmp0:
0x1a: {  	s15 =	sshll.u32 s15, $0x4;
	[sflag:s8] =	ssyncset.done $0x0;
	(pc) =	sbr.rel @!p0 .LBB2_2-.Ltmp0, $4  }
0x1b: {  	s14 =	sadd.s32 s14, s15;
	[sflag:s8] =	ssyncadd.s32 $0xFFFFC000  }
0x1c: {  	[hbm4b:s14+s2] =	stream.linear.scatter [tilespmem:s7], [sflag:$0x2], $0x10000, $0x38;
	[tilespmem:$0x10200] =	vst v63  }
0x1d: {  	_ =	swait.ge [sflag:s3], $0x10000  }
0x1e: {  	s15 =	sadd.s32 $0xFFFFFFFF, s31;
	[sflag:s3] =	ssyncset.done $0x0  }
.LBB2_1:
0x1f: {  	p0 =	sne.s32 s15, $0x1;
	s15 =	sadd.s32 $0xFFFFFFFF, s15;
	[sflag:s3] =	ssyncadd.s32 $0xFFFF0000  }
0x20: {  	[tilespmem:s2], [sflag:$0x2] =	stream.linear.gather [hbm4b:s4+s2], $0x200, $0x38;
	[tilespmem:$0x10200] =	vst v63  }
0x21: {  	_ =	swait.ge [sflag:s3], $0x200  }
0x22: {  	[sflag:s3] =	ssyncset.done $0x0  }
0x23: {  	[sflag:s3] =	ssyncadd.s32 $0xFFFFFE00  }
0x24: {  	[tilespmem:s7], [sflag:$0x1] =	stream.indirect.gather [hbm4b:s5+s6], $0x80, s2, s6, $0xb8;
	[tilespmem:$0x10200] =	vst v63  }
0x25: {  	_ =	swait.ge [sflag:s8], $0x4000  }
0x26: {  	[sflag:s8] =	ssyncset.done $0x0  }
0x27: {  	[sflag:s8] =	ssyncadd.s32 $0xFFFFC000  }
0x28: {  	[tilespmem:s9], [sflag:$0x1] =	stream.indirect.gather [hbm4b:s5+s6], $0x80, s6, s6, $0xb8;
	[tilespmem:$0x10200] =	vst v63  }
0x29: {  	_ =	swait.ge [sflag:s8], $0x4000  }
0x2a: {  	[sflag:s8] =	ssyncset.done $0x0  }
0x2b: {  	[sflag:s8] =	ssyncadd.s32 $0xFFFFC000  }
0x2c: {  	[tilespmem:s11], [sflag:$0x1] =	stream.indirect.gather [hbm4b:s5+s6], $0x80, s10, s6, $0xb8;
	[tilespmem:$0x10200] =	vst v63  }
0x2d: {  	_ =	swait.ge [sflag:s8], $0x4000  }
0x2e: {  	[sflag:s8] =	ssyncset.done $0x0  }
0x2f: {  	[sflag:s8] =	ssyncadd.s32 $0xFFFFC000  }
0x30: {  	[tilespmem:s13], [sflag:$0x1] =	stream.indirect.gather [hbm4b:s5+s6], $0x80, s12, s6, $0xb8;
	[tilespmem:$0x10200] =	vst v63  }
0x31: {  	_ =	swait.ge [sflag:s8], $0x4000  }
.Ltmp1:
0x32: {  	[sflag:s8] =	ssyncset.done $0x0;
	(pc) =	sbr.rel @p0 .LBB2_1-.Ltmp1, $4  }
0x33: {  	[sflag:s8] =	ssyncadd.s32 $0xFFFFC000  }
0x34: {  	[hbm4b:s14+s2] =	stream.linear.scatter [tilespmem:s7], [sflag:$0x2], $0x10000, $0x38;
	[tilespmem:$0x10200] =	vst v63  }
0x35: {  	_ =	swait.ge [sflag:s3], $0x10000  }
0x36: {  	[sflag:s3] =	ssyncset.done $0x0  }
.LBB2_2:
0x37: {  	[sflag:s3] =	ssyncadd.s32 $0xFFFF0000  }
0x38: {  	_ =	sfence.sel $0x180000  }
0x39: {  	[bflag:$0x0] =	sbarrier.arrive $0xFFFF  }
0x3a: {  	p0 =	sne.s32 s0, $0x0;
	_ =	strace $0x9000004A  }
0x3b: {  	s0 =	sadd.s32 @!p0 $0x100000, s1;
	[bflag:$0x2] =	sbarrier.arrive $0xFFFF  }
0x3c: {  	[sflag:s0] =	ssyncadd.tile.s32 @!p0 $0x1;
	_ =	shalt  }
.Lfunc_end2:
_tile_overlayer_lowered:
.L_overlay_start_2:
0x3d: {  	(tag) =	ssettag $0x2  }
0x3e: {  	s0 =	rddreg [dreg:$0x0];
	s2 =	stileid.u32  }
0x3f: {  	s1 =	rddreg [dreg:$0x1];
	p0 =	sne.s32 s2, $0x0  }
0x40: {  	s3 =	rddreg [dreg:$0x2];
	[bflag:$0x3] =	sbarrier.arrive $0xFFFF;
	s2 =	simm.s32 @!p0 $0x1C02  }
0x41: {  	[timem:s3], [sflag:s2] =	dma.local @!p0 [hbm:s0], s1  }
0x42: {  	s0 =	simm.s32 @!p0 $0x2  }
0x43: {  	_ =	swait.ge @!p0 [sflag:s0], s1  }
0x44: {  	s1 =	ssub.s32 @!p0 $0x0, s1;
	[sflag:s0] =	ssyncset.done @!p0 $0x0  }
0x45: {  	[sflag:s0] =	ssyncadd.s32 @!p0 s1  }
0x46: {  	[bflag:$0x3] =	sbarrier.arrive $0xFFFF  }
0x47: {  	_ =	shalt  }

</sc_bundles>
